<compile_context>
chip_gen: v7x
topology: tpu7x:2x2x1
jax: 0.10.2.dev20260603
libtpu: 0.0.44.dev20260713+nightly
codegen_flags: <defaults>
</compile_context>

<pallas_src>
import functools

import jax
import jax.numpy as jnp
from jax import lax
from jax.experimental import pallas as pl
from jax.experimental.pallas import tpu as pltpu
from jax.experimental.pallas import tpu_sc as plsc

N = 2048
V = 65536
KNB = 8
R = 256
C = 4096
NSL = C // 128
NCH = V // C
ACC = NCH * 256
T = 0.0026
BIG = 1e9
MAXD = 0.05


def _select_body(q_ref, p_ref, idx_out, valid_out, acc_val, acc_idx):
    j = pl.program_id(1)

    @pl.when(j == 0)
    def _():
        acc_val[...] = jnp.full((R, ACC), BIG, jnp.float32)
        acc_idx[...] = jnp.zeros((R, ACC), jnp.int32)

    q = q_ref[...]
    p = p_ref[...]
    q2 = jnp.sum(q * q, axis=1, keepdims=True)
    p2 = jnp.sum(p * p, axis=0)[None, :]
    qp = lax.dot_general(q, p, (((1,), (0,)), ((), ())),
                         preferred_element_type=jnp.float32)
    d2 = q2 + p2 - 2.0 * qp

    m1 = jnp.full((R, 128), BIG, jnp.float32)
    m2 = jnp.full((R, 128), BIG, jnp.float32)
    i1 = jnp.zeros((R, 128), jnp.int32)
    i2 = jnp.zeros((R, 128), jnp.int32)
    hc = jnp.zeros((R, 128), jnp.int32)
    for k in range(NSL):
        s = d2[:, k * 128:(k + 1) * 128]
        hc = hc + (s < T).astype(jnp.int32)
        lt1 = s < m1
        lt2 = s < m2
        m2 = jnp.where(lt1, m1, jnp.minimum(m2, s))
        i2 = jnp.where(lt1, i1, jnp.where(lt2, k, i2))
        m1 = jnp.minimum(m1, s)
        i1 = jnp.where(lt1, k, i1)
    lane = lax.broadcasted_iota(jnp.int32, (R, 128), 1)
    g1 = j * C + i1 * 128 + lane
    g2 = j * C + i2 * 128 + lane
    any3 = jnp.max(hc) >= 3
    base = j * 256

    @pl.when(jnp.logical_not(any3))
    def _():
        acc_val[:, pl.ds(base, 128)] = m1
        acc_val[:, pl.ds(base + 128, 128)] = m2
        acc_idx[:, pl.ds(base, 128)] = g1
        acc_idx[:, pl.ds(base + 128, 128)] = g2

    @pl.when(any3)
    def _():
        col = lax.broadcasted_iota(jnp.int32, (R, C), 1)
        dmf = d2
        vals, idxs = [], []
        for _ in range(KNB):
            m = jnp.min(dmf, axis=1, keepdims=True)
            eq = dmf == m
            pos = jnp.min(jnp.where(eq, col, C), axis=1, keepdims=True)
            sel = col == pos
            vals.append(m)
            idxs.append(pos + j * C)
            dmf = jnp.where(sel, BIG, dmf)
        v8 = jnp.concatenate(vals, axis=1)
        i8 = jnp.concatenate(idxs, axis=1)
        pad_v = jnp.full((R, 120), BIG, jnp.float32)
        pad_i = jnp.zeros((R, 120), jnp.int32)
        acc_val[:, pl.ds(base, 128)] = jnp.concatenate([v8, pad_v], axis=1)
        acc_val[:, pl.ds(base + 128, 128)] = jnp.full((R, 128), BIG, jnp.float32)
        acc_idx[:, pl.ds(base, 128)] = jnp.concatenate([i8, pad_i], axis=1)
        acc_idx[:, pl.ds(base + 128, 128)] = jnp.zeros((R, 128), jnp.int32)

    @pl.when(j == NCH - 1)
    def _():
        av = acc_val[...]
        ai = acc_idx[...]
        aiota = lax.broadcasted_iota(jnp.int32, (R, ACC), 1)
        vals, idxs = [], []
        for _ in range(KNB):
            m = jnp.min(av, axis=1, keepdims=True)
            eq = av == m
            pos = jnp.min(jnp.where(eq, aiota, ACC), axis=1, keepdims=True)
            sel = aiota == pos
            gi = jnp.max(jnp.where(sel, ai, 0), axis=1, keepdims=True)
            vals.append(m)
            idxs.append(gi)
            av = jnp.where(sel, BIG, av)
        v8 = jnp.concatenate(vals, axis=1)
        i8 = jnp.concatenate(idxs, axis=1)
        dist = jnp.sqrt(jnp.maximum(v8, 0.0))
        valid_out[...] = (dist < MAXD).astype(jnp.float32)
        idx_out[...] = i8


def _select_top8(contact_points, positions_t):
    return pl.pallas_call(
        _select_body,
        grid=(N // R, NCH),
        in_specs=[
            pl.BlockSpec((R, 3), lambda i, j: (i, 0)),
            pl.BlockSpec((3, C), lambda i, j: (0, j)),
        ],
        out_specs=[
            pl.BlockSpec((R, KNB), lambda i, j: (i, 0)),
            pl.BlockSpec((R, KNB), lambda i, j: (i, 0)),
        ],
        out_shape=[
            jax.ShapeDtypeStruct((N, KNB), jnp.int32),
            jax.ShapeDtypeStruct((N, KNB), jnp.float32),
        ],
        scratch_shapes=[
            pltpu.VMEM((R, ACC), jnp.float32),
            pltpu.VMEM((R, ACC), jnp.int32),
        ],
        compiler_params=pltpu.CompilerParams(
            dimension_semantics=("parallel", "arbitrary")),
    )(contact_points, positions_t)


def _sc_gather(table, idx_arr):
    info = plsc.get_sparse_core_info()
    nc = info.num_cores
    mesh = plsc.VectorSubcoreMesh(core_axis_name="c", subcore_axis_name="s")

    @functools.partial(
        pl.kernel, mesh=mesh,
        out_type=jax.ShapeDtypeStruct((32, 512, 16), jnp.float32),
        scratch_types=[
            pltpu.VMEM((4, 128), jnp.int32),
            pltpu.VMEM((512, 16), jnp.float32),
            pltpu.SemaphoreType.DMA,
        ],
        compiler_params=pltpu.CompilerParams(use_tc_tiling_on_sc=False),
    )
    def k(table_hbm, idx_hbm, out_hbm, idx_v, rows_v, sem):
        wid = lax.axis_index("s") * nc + lax.axis_index("c")
        pltpu.sync_copy(idx_hbm.at[wid], idx_v)
        cps = [pltpu.async_copy(table_hbm.at[idx_v.at[c]],
                                rows_v.at[pl.ds(c * 128, 128)], sem)
               for c in range(4)]
        for cp in cps:
            cp.wait()
        pltpu.sync_copy(rows_v, out_hbm.at[wid])

    return k(table, idx_arr)


def _mahal_body(g_ref, valid_ref, cp_ref, out_ref):
    px, py, pz = g_ref[0], g_ref[1], g_ref[2]
    qw, qx, qy, qz = g_ref[3], g_ref[4], g_ref[5], g_ref[6]
    sx, sy, sz = g_ref[7], g_ref[8], g_ref[9]
    valid = valid_ref[...]

    d0 = cp_ref[0:1, :] - px
    d1 = cp_ref[1:2, :] - py
    d2_ = cp_ref[2:3, :] - pz

    def sig2(s):
        e = jnp.exp(jnp.clip(s, -5.0, 5.0))
        e = jnp.clip(e, 1e-4, 1.0)
        return e * e
    Sx, Sy, Sz = sig2(sx), sig2(sy), sig2(sz)

    nn = jnp.maximum(qw * qw + qx * qx + qy * qy + qz * qz, 1e-16)
    xx, yy, zz = qx * qx, qy * qy, qz * qz
    xy, xz, yz = qx * qy, qx * qz, qy * qz
    wx, wy, wz = qw * qx, qw * qy, qw * qz
    m00 = nn - 2.0 * (yy + zz)
    m01 = 2.0 * (xy - wz)
    m02 = 2.0 * (xz + wy)
    m10 = 2.0 * (xy + wz)
    m11 = nn - 2.0 * (xx + zz)
    m12 = 2.0 * (yz - wx)
    m20 = 2.0 * (xz - wy)
    m21 = 2.0 * (yz + wx)
    m22 = nn - 2.0 * (xx + yy)

    t0x, t0y, t0z = Sx * m00, Sy * m01, Sz * m02
    t1x, t1y, t1z = Sx * m10, Sy * m11, Sz * m12
    t2x, t2y, t2z = Sx * m20, Sy * m21, Sz * m22
    enn2 = 1e-6 * nn * nn
    b00 = t0x * m00 + t0y * m01 + t0z * m02 + enn2
    b01 = t0x * m10 + t0y * m11 + t0z * m12
    b02 = t0x * m20 + t0y * m21 + t0z * m22
    b11 = t1x * m10 + t1y * m11 + t1z * m12 + enn2
    b12 = t1x * m20 + t1y * m21 + t1z * m22
    b22 = t2x * m20 + t2y * m21 + t2z * m22 + enn2

    c00 = b11 * b22 - b12 * b12
    c01 = b02 * b12 - b01 * b22
    c02 = b01 * b12 - b02 * b11
    c11 = b00 * b22 - b02 * b02
    c12 = b01 * b02 - b00 * b12
    c22 = b00 * b11 - b01 * b01
    det = b00 * c00 + b01 * c01 + b02 * c02

    num = (c00 * d0 * d0 + c11 * d1 * d1 + c22 * d2_ * d2_
           + 2.0 * (c01 * d0 * d1 + c02 * d0 * d2_ + c12 * d1 * d2_))
    quad = nn * nn * num / det
    quad = jnp.where(jnp.isnan(quad), 0.0, quad)
    quad = jnp.clip(quad, 0.0, 1e6)
    masked = jnp.where(valid > 0.5, quad, 1e6)
    mm = jnp.min(masked, axis=0, keepdims=True)
    out_ref[...] = jnp.sqrt(mm)


def _mahal(g_c, valid_t, cp_t):
    return pl.pallas_call(
        _mahal_body,
        out_shape=jax.ShapeDtypeStruct((1, N), jnp.float32),
    )(g_c, valid_t, cp_t)


def kernel(contact_points, positions, rotations, scales):
    positions_t = positions.T
    idx8, valid8 = _select_top8(contact_points, positions_t)
    idx_flat = idx8.T
    idx_arr = idx_flat.reshape(32, 4, 128)
    table = jnp.concatenate(
        [positions, rotations, scales,
         jnp.zeros((V, 6), jnp.float32)], axis=1)
    g = _sc_gather(table, idx_arr)
    g_c = g.reshape(KNB * N, 16).T.reshape(16, KNB, N)
    out = _mahal(g_c, valid8.T, contact_points.T)
    return out.reshape(N)

# --- scband reference (transcript-rebuilt; emitter-appended) ---
"""Pipeline reference for scband-mahalanobis-distance-constraint-24927990186059 (READ-ONLY COPY).

The authoritative reference and input builder live on the scoring server;
editing this copy changes nothing except your own understanding.
"""

import jax, jax.numpy as jnp
import numpy as np

K_NEIGHBORS = 8
MAX_DISTANCE = 0.05


def setup_inputs(seed: int = 0) -> dict:
    key = jax.random.key(seed)
    k1, k2, k3, k4 = jax.random.split(key, 4)
    contact_points = jax.random.uniform(k1, (2048, 3), dtype=jnp.float32)
    positions = jax.random.uniform(k2, (65536, 3), dtype=jnp.float32)
    rotations = jax.random.normal(k3, (65536, 4), dtype=jnp.float32)
    scales = jax.random.normal(k4, (65536, 3), dtype=jnp.float32)
    return {"contact_points": contact_points, "positions": positions,
            "rotations": rotations, "scales": scales}


def _surface_distance(contact_points, positions, rotations, scales):
    # ---- _find_k_nearest_gaussians: cdist + topk(smallest) ----
    q2 = jnp.sum(contact_points * contact_points, axis=1, keepdims=True)  # [N,1]
    p2 = jnp.sum(positions * positions, axis=1)[None, :]                   # [1,K]
    d2 = q2 + p2 - 2.0 * (contact_points @ positions.T)                    # [N,K]
    dist = jnp.sqrt(jnp.clip(d2, 0.0, None))
    neg_vals, idx = jax.lax.top_k(-dist, K_NEIGHBORS)  # smallest distances
    nearest_dist = -neg_vals                            # [N,k]
    valid_mask = nearest_dist < MAX_DISTANCE
    # ---- _compute_mahalanobis_distance ----
    pos_g = positions[idx]                              # [N,k,3]
    rot_g = rotations[idx]                              # [N,k,4]
    sc_g = jnp.clip(scales[idx], -5.0, 5.0)             # [N,k,3]
    qn = jnp.clip(jnp.linalg.norm(rot_g, axis=-1, keepdims=True), 1e-08, None)
    q = rot_g / qn
    w, x, y, z = q[..., 0], q[..., 1], q[..., 2], q[..., 3]
    xx, yy, zz = x * x, y * y, z * z
    xy, xz, yz = x * y, x * z, y * z
    wx, wy, wz = w * x, w * y, w * z
    R = jnp.stack([
        jnp.stack([1 - 2 * (yy + zz), 2 * (xy - wz), 2 * (xz + wy)], axis=-1),
        jnp.stack([2 * (xy + wz), 1 - 2 * (xx + zz), 2 * (yz - wx)], axis=-1),
        jnp.stack([2 * (xz - wy), 2 * (yz + wx), 1 - 2 * (xx + yy)], axis=-1),
    ], axis=-2)                                          # [N,k,3,3]
    sigma = jnp.clip(jnp.exp(sc_g), 0.0001, 1.0)
    S = sigma * sigma                                    # [N,k,3]
    cov = jnp.einsum('nkij,nkj,nklj->nkil', R, S, R)     # R diag(S) R^T
    cov = cov + 1e-06 * jnp.eye(3, dtype=cov.dtype)
    inv_cov = jnp.linalg.inv(cov)                        # cholesky_inverse equivalent (SPD)
    diff = contact_points[:, None, :] - pos_g            # [N,k,3]
    quad = jnp.einsum('nki,nkij,nkj->nk', diff, inv_cov, diff)
    quad = jnp.nan_to_num(quad, nan=0.0, posinf=1000000.0, neginf=0.0)
    quad = jnp.minimum(quad, 1000000.0)
    mahal = jnp.sqrt(jnp.clip(quad, 0.0, None))
    masked = jnp.where(valid_mask, mahal, jnp.full_like(mahal, 1000.0))
    surface = jnp.min(masked, axis=1)
    surface = jnp.nan_to_num(surface, nan=1000.0, posinf=1000.0, neginf=1000.0)
    return surface


def reference(contact_points, positions, rotations, scales):
    return _surface_distance(contact_points, positions, rotations, scales)

if __name__ == "__main__":
    import jax
    _d = setup_inputs()
    print(jax.jit(kernel)(*tuple(_d.values())))

</pallas_src>

<mosaic_0001>
#map = affine_map<(d0, d1) -> (0, 0)>
#map1 = affine_map<(d0, d1) -> (0, 0, 0)>
module attributes {stable_mosaic.version = 14 : i64} {
  func.func @k(%arg0: i32, %arg1: i32, %arg2: memref<65536x16xf32, #tpu.memory_space<hbm>>, %arg3: memref<32x4x128xi32, #tpu.memory_space<hbm>>, %arg4: memref<32x512x16xf32, #tpu.memory_space<hbm>>, %arg5: memref<4x128xi32, #tpu.memory_space<vmem>>, %arg6: memref<512x16xf32, #tpu.memory_space<vmem>>, %arg7: memref<!tpu.dma_semaphore, #tpu.memory_space<semaphore_mem>>) attributes {dimension_semantics = [#tpu.dimension_semantics<core_parallel>, #tpu.dimension_semantics<subcore_parallel>], iteration_bounds = array<i64: 2, 16>, scalar_prefetch = 0 : i64, scratch_operands = 3 : i64, tpu.core_type = #tpu.core_type<sc_vector_subcore>, window_params = [{transform_indices = #map}, {transform_indices = #map1}, {transform_indices = #map1}]} {
    %mul3A = arith.constant 2 : i32
    %mul3A_0 = arith.muli %arg1, %mul3A : i32
    %add3A = arith.addi %mul3A_0, %arg0 : i32
    "tpu.region"() ({
      %run_scoped3A = tpu.sem_alloc : memref<!tpu.dma_semaphore, #tpu.memory_space<semaphore_mem>>
      %dma_start3A_79 = arith.constant 0 : i32
      %dma_start3A_80 = arith.constant 0 : i32
      %dma_start3A_81 = tpu.memref_slice %arg3[%add3A, %dma_start3A_79, %dma_start3A_80] : memref<32x4x128xi32, #tpu.memory_space<hbm>> -> memref<1x4x128xi32, #tpu.memory_space<hbm>>
      %dma_start3A_82 = tpu.memref_squeeze %dma_start3A_81 : memref<1x4x128xi32, #tpu.memory_space<hbm>> -> memref<4x128xi32, #tpu.memory_space<hbm>>
      %dma_start3A_83 = arith.constant 0 : i32
      %dma_start3A_84 = arith.constant 0 : i32
      %dma_start3A_85 = tpu.memref_slice %arg3[%add3A, %dma_start3A_83, %dma_start3A_84] : memref<32x4x128xi32, #tpu.memory_space<hbm>> -> memref<1x4x128xi32, #tpu.memory_space<hbm>>
      %dma_start3A_86 = tpu.memref_squeeze %dma_start3A_85 : memref<1x4x128xi32, #tpu.memory_space<hbm>> -> memref<4x128xi32, #tpu.memory_space<hbm>>
      tpu.enqueue_dma source(%dma_start3A_86 : memref<4x128xi32, #tpu.memory_space<hbm>>) target(%arg5 : memref<4x128xi32, #tpu.memory_space<vmem>>) target_semaphore(%run_scoped3A : memref<!tpu.dma_semaphore, #tpu.memory_space<semaphore_mem>>)
      %dma_wait3A_87 = arith.constant 0 : i32
      %dma_wait3A_88 = arith.constant 0 : i32
      %dma_wait3A_89 = tpu.memref_slice %arg3[%add3A, %dma_wait3A_87, %dma_wait3A_88] : memref<32x4x128xi32, #tpu.memory_space<hbm>> -> memref<1x4x128xi32, #tpu.memory_space<hbm>>
      %dma_wait3A_90 = tpu.memref_squeeze %dma_wait3A_89 : memref<1x4x128xi32, #tpu.memory_space<hbm>> -> memref<4x128xi32, #tpu.memory_space<hbm>>
      %dma_wait3A_91 = arith.constant 0 : i32
      %dma_wait3A_92 = arith.constant 0 : i32
      %dma_wait3A_93 = tpu.memref_slice %arg3[%add3A, %dma_wait3A_91, %dma_wait3A_92] : memref<32x4x128xi32, #tpu.memory_space<hbm>> -> memref<1x4x128xi32, #tpu.memory_space<hbm>>
      %dma_wait3A_94 = tpu.memref_squeeze %dma_wait3A_93 : memref<1x4x128xi32, #tpu.memory_space<hbm>> -> memref<4x128xi32, #tpu.memory_space<hbm>>
      tpu.wait_dma2 semaphore(%run_scoped3A : memref<!tpu.dma_semaphore, #tpu.memory_space<semaphore_mem>>) src(%dma_wait3A_94 : memref<4x128xi32, #tpu.memory_space<hbm>>) dst(%arg5 : memref<4x128xi32, #tpu.memory_space<vmem>>)
      tpu.yield
    }) : () -> ()
    %dma_start3A = arith.constant 0 : i32
    %dma_start3A_1 = arith.constant 0 : i32
    %dma_start3A_2 = arith.constant 0 : i32
    %dma_start3A_3 = tpu.memref_slice %arg6[%dma_start3A_1, %dma_start3A_2] : memref<512x16xf32, #tpu.memory_space<vmem>> -> memref<128x16xf32, #tpu.memory_space<vmem>>
    %dma_start3A_4 = arith.constant 0 : i32
    %dma_start3A_5 = tpu.memref_slice %arg5[%dma_start3A, %dma_start3A_4] : memref<4x128xi32, #tpu.memory_space<vmem>> -> memref<1x128xi32, #tpu.memory_space<vmem>>
    %dma_start3A_6 = tpu.memref_squeeze %dma_start3A_5 : memref<1x128xi32, #tpu.memory_space<vmem>> -> memref<128xi32, #tpu.memory_space<vmem>>
    %dma_start3A_7 = arith.constant 0 : i32
    %dma_start3A_8 = arith.constant 0 : i32
    %dma_start3A_9 = tpu.memref_slice %arg2[%dma_start3A_7, %dma_start3A_8] : memref<65536x16xf32, #tpu.memory_space<hbm>> -> memref<65536x16xf32, #tpu.memory_space<hbm>>
    tpu.enqueue_indirect_dma source(%dma_start3A_9 : memref<65536x16xf32, #tpu.memory_space<hbm>>) target(%dma_start3A_3 : memref<128x16xf32, #tpu.memory_space<vmem>>) offsets(%dma_start3A_6 : memref<128xi32, #tpu.memory_space<vmem>>) semaphore(%arg7 : memref<!tpu.dma_semaphore, #tpu.memory_space<semaphore_mem>>)
    %dma_start3A_10 = arith.constant 1 : i32
    %dma_start3A_11 = arith.constant 128 : i32
    %dma_start3A_12 = arith.constant 0 : i32
    %dma_start3A_13 = tpu.memref_slice %arg6[%dma_start3A_11, %dma_start3A_12] : memref<512x16xf32, #tpu.memory_space<vmem>> -> memref<128x16xf32, #tpu.memory_space<vmem>>
    %dma_start3A_14 = arith.constant 0 : i32
    %dma_start3A_15 = tpu.memref_slice %arg5[%dma_start3A_10, %dma_start3A_14] : memref<4x128xi32, #tpu.memory_space<vmem>> -> memref<1x128xi32, #tpu.memory_space<vmem>>
    %dma_start3A_16 = tpu.memref_squeeze %dma_start3A_15 : memref<1x128xi32, #tpu.memory_space<vmem>> -> memref<128xi32, #tpu.memory_space<vmem>>
    %dma_start3A_17 = arith.constant 0 : i32
    %dma_start3A_18 = arith.constant 0 : i32
    %dma_start3A_19 = tpu.memref_slice %arg2[%dma_start3A_17, %dma_start3A_18] : memref<65536x16xf32, #tpu.memory_space<hbm>> -> memref<65536x16xf32, #tpu.memory_space<hbm>>
    tpu.enqueue_indirect_dma source(%dma_start3A_19 : memref<65536x16xf32, #tpu.memory_space<hbm>>) target(%dma_start3A_13 : memref<128x16xf32, #tpu.memory_space<vmem>>) offsets(%dma_start3A_16 : memref<128xi32, #tpu.memory_space<vmem>>) semaphore(%arg7 : memref<!tpu.dma_semaphore, #tpu.memory_space<semaphore_mem>>)
    %dma_start3A_20 = arith.constant 2 : i32
    %dma_start3A_21 = arith.constant 256 : i32
    %dma_start3A_22 = arith.constant 0 : i32
    %dma_start3A_23 = tpu.memref_slice %arg6[%dma_start3A_21, %dma_start3A_22] : memref<512x16xf32, #tpu.memory_space<vmem>> -> memref<128x16xf32, #tpu.memory_space<vmem>>
    %dma_start3A_24 = arith.constant 0 : i32
    %dma_start3A_25 = tpu.memref_slice %arg5[%dma_start3A_20, %dma_start3A_24] : memref<4x128xi32, #tpu.memory_space<vmem>> -> memref<1x128xi32, #tpu.memory_space<vmem>>
    %dma_start3A_26 = tpu.memref_squeeze %dma_start3A_25 : memref<1x128xi32, #tpu.memory_space<vmem>> -> memref<128xi32, #tpu.memory_space<vmem>>
    %dma_start3A_27 = arith.constant 0 : i32
    %dma_start3A_28 = arith.constant 0 : i32
    %dma_start3A_29 = tpu.memref_slice %arg2[%dma_start3A_27, %dma_start3A_28] : memref<65536x16xf32, #tpu.memory_space<hbm>> -> memref<65536x16xf32, #tpu.memory_space<hbm>>
    tpu.enqueue_indirect_dma source(%dma_start3A_29 : memref<65536x16xf32, #tpu.memory_space<hbm>>) target(%dma_start3A_23 : memref<128x16xf32, #tpu.memory_space<vmem>>) offsets(%dma_start3A_26 : memref<128xi32, #tpu.memory_space<vmem>>) semaphore(%arg7 : memref<!tpu.dma_semaphore, #tpu.memory_space<semaphore_mem>>)
    %dma_start3A_30 = arith.constant 3 : i32
    %dma_start3A_31 = arith.constant 384 : i32
    %dma_start3A_32 = arith.constant 0 : i32
    %dma_start3A_33 = tpu.memref_slice %arg6[%dma_start3A_31, %dma_start3A_32] : memref<512x16xf32, #tpu.memory_space<vmem>> -> memref<128x16xf32, #tpu.memory_space<vmem>>
    %dma_start3A_34 = arith.constant 0 : i32
    %dma_start3A_35 = tpu.memref_slice %arg5[%dma_start3A_30, %dma_start3A_34] : memref<4x128xi32, #tpu.memory_space<vmem>> -> memref<1x128xi32, #tpu.memory_space<vmem>>
    %dma_start3A_36 = tpu.memref_squeeze %dma_start3A_35 : memref<1x128xi32, #tpu.memory_space<vmem>> -> memref<128xi32, #tpu.memory_space<vmem>>
    %dma_start3A_37 = arith.constant 0 : i32
    %dma_start3A_38 = arith.constant 0 : i32
    %dma_start3A_39 = tpu.memref_slice %arg2[%dma_start3A_37, %dma_start3A_38] : memref<65536x16xf32, #tpu.memory_space<hbm>> -> memref<65536x16xf32, #tpu.memory_space<hbm>>
    tpu.enqueue_indirect_dma source(%dma_start3A_39 : memref<65536x16xf32, #tpu.memory_space<hbm>>) target(%dma_start3A_33 : memref<128x16xf32, #tpu.memory_space<vmem>>) offsets(%dma_start3A_36 : memref<128xi32, #tpu.memory_space<vmem>>) semaphore(%arg7 : memref<!tpu.dma_semaphore, #tpu.memory_space<semaphore_mem>>)
    %dma_wait3A = arith.constant 0 : i32
    %dma_wait3A_40 = arith.constant 0 : i32
    %dma_wait3A_41 = arith.constant 0 : i32
    %dma_wait3A_42 = tpu.memref_slice %arg6[%dma_wait3A_40, %dma_wait3A_41] : memref<512x16xf32, #tpu.memory_space<vmem>> -> memref<128x16xf32, #tpu.memory_space<vmem>>
    %dma_wait3A_43 = arith.constant 0 : i32
    %dma_wait3A_44 = tpu.memref_slice %arg5[%dma_wait3A, %dma_wait3A_43] : memref<4x128xi32, #tpu.memory_space<vmem>> -> memref<1x128xi32, #tpu.memory_space<vmem>>
    %dma_wait3A_45 = tpu.memref_squeeze %dma_wait3A_44 : memref<1x128xi32, #tpu.memory_space<vmem>> -> memref<128xi32, #tpu.memory_space<vmem>>
    %dma_wait3A_46 = arith.constant 0 : i32
    %dma_wait3A_47 = arith.constant 0 : i32
    %dma_wait3A_48 = tpu.memref_slice %arg2[%dma_wait3A_46, %dma_wait3A_47] : memref<65536x16xf32, #tpu.memory_space<hbm>> -> memref<65536x16xf32, #tpu.memory_space<hbm>>
    tpu.wait_indirect_dma semaphore(%arg7 : memref<!tpu.dma_semaphore, #tpu.memory_space<semaphore_mem>>) src(%dma_wait3A_48 : memref<65536x16xf32, #tpu.memory_space<hbm>>) dst(%dma_wait3A_42 : memref<128x16xf32, #tpu.memory_space<vmem>>)
    %dma_wait3A_49 = arith.constant 1 : i32
    %dma_wait3A_50 = arith.constant 128 : i32
    %dma_wait3A_51 = arith.constant 0 : i32
    %dma_wait3A_52 = tpu.memref_slice %arg6[%dma_wait3A_50, %dma_wait3A_51] : memref<512x16xf32, #tpu.memory_space<vmem>> -> memref<128x16xf32, #tpu.memory_space<vmem>>
    %dma_wait3A_53 = arith.constant 0 : i32
    %dma_wait3A_54 = tpu.memref_slice %arg5[%dma_wait3A_49, %dma_wait3A_53] : memref<4x128xi32, #tpu.memory_space<vmem>> -> memref<1x128xi32, #tpu.memory_space<vmem>>
    %dma_wait3A_55 = tpu.memref_squeeze %dma_wait3A_54 : memref<1x128xi32, #tpu.memory_space<vmem>> -> memref<128xi32, #tpu.memory_space<vmem>>
    %dma_wait3A_56 = arith.constant 0 : i32
    %dma_wait3A_57 = arith.constant 0 : i32
    %dma_wait3A_58 = tpu.memref_slice %arg2[%dma_wait3A_56, %dma_wait3A_57] : memref<65536x16xf32, #tpu.memory_space<hbm>> -> memref<65536x16xf32, #tpu.memory_space<hbm>>
    tpu.wait_indirect_dma semaphore(%arg7 : memref<!tpu.dma_semaphore, #tpu.memory_space<semaphore_mem>>) src(%dma_wait3A_58 : memref<65536x16xf32, #tpu.memory_space<hbm>>) dst(%dma_wait3A_52 : memref<128x16xf32, #tpu.memory_space<vmem>>)
    %dma_wait3A_59 = arith.constant 2 : i32
    %dma_wait3A_60 = arith.constant 256 : i32
    %dma_wait3A_61 = arith.constant 0 : i32
    %dma_wait3A_62 = tpu.memref_slice %arg6[%dma_wait3A_60, %dma_wait3A_61] : memref<512x16xf32, #tpu.memory_space<vmem>> -> memref<128x16xf32, #tpu.memory_space<vmem>>
    %dma_wait3A_63 = arith.constant 0 : i32
    %dma_wait3A_64 = tpu.memref_slice %arg5[%dma_wait3A_59, %dma_wait3A_63] : memref<4x128xi32, #tpu.memory_space<vmem>> -> memref<1x128xi32, #tpu.memory_space<vmem>>
    %dma_wait3A_65 = tpu.memref_squeeze %dma_wait3A_64 : memref<1x128xi32, #tpu.memory_space<vmem>> -> memref<128xi32, #tpu.memory_space<vmem>>
    %dma_wait3A_66 = arith.constant 0 : i32
    %dma_wait3A_67 = arith.constant 0 : i32
    %dma_wait3A_68 = tpu.memref_slice %arg2[%dma_wait3A_66, %dma_wait3A_67] : memref<65536x16xf32, #tpu.memory_space<hbm>> -> memref<65536x16xf32, #tpu.memory_space<hbm>>
    tpu.wait_indirect_dma semaphore(%arg7 : memref<!tpu.dma_semaphore, #tpu.memory_space<semaphore_mem>>) src(%dma_wait3A_68 : memref<65536x16xf32, #tpu.memory_space<hbm>>) dst(%dma_wait3A_62 : memref<128x16xf32, #tpu.memory_space<vmem>>)
    %dma_wait3A_69 = arith.constant 3 : i32
    %dma_wait3A_70 = arith.constant 384 : i32
    %dma_wait3A_71 = arith.constant 0 : i32
    %dma_wait3A_72 = tpu.memref_slice %arg6[%dma_wait3A_70, %dma_wait3A_71] : memref<512x16xf32, #tpu.memory_space<vmem>> -> memref<128x16xf32, #tpu.memory_space<vmem>>
    %dma_wait3A_73 = arith.constant 0 : i32
    %dma_wait3A_74 = tpu.memref_slice %arg5[%dma_wait3A_69, %dma_wait3A_73] : memref<4x128xi32, #tpu.memory_space<vmem>> -> memref<1x128xi32, #tpu.memory_space<vmem>>
    %dma_wait3A_75 = tpu.memref_squeeze %dma_wait3A_74 : memref<1x128xi32, #tpu.memory_space<vmem>> -> memref<128xi32, #tpu.memory_space<vmem>>
    %dma_wait3A_76 = arith.constant 0 : i32
    %dma_wait3A_77 = arith.constant 0 : i32
    %dma_wait3A_78 = tpu.memref_slice %arg2[%dma_wait3A_76, %dma_wait3A_77] : memref<65536x16xf32, #tpu.memory_space<hbm>> -> memref<65536x16xf32, #tpu.memory_space<hbm>>
    tpu.wait_indirect_dma semaphore(%arg7 : memref<!tpu.dma_semaphore, #tpu.memory_space<semaphore_mem>>) src(%dma_wait3A_78 : memref<65536x16xf32, #tpu.memory_space<hbm>>) dst(%dma_wait3A_72 : memref<128x16xf32, #tpu.memory_space<vmem>>)
    "tpu.region"() ({
      %run_scoped3A = tpu.sem_alloc : memref<!tpu.dma_semaphore, #tpu.memory_space<semaphore_mem>>
      %dma_start3A_79 = arith.constant 0 : i32
      %dma_start3A_80 = arith.constant 0 : i32
      %dma_start3A_81 = tpu.memref_slice %arg4[%add3A, %dma_start3A_79, %dma_start3A_80] : memref<32x512x16xf32, #tpu.memory_space<hbm>> -> memref<1x512x16xf32, #tpu.memory_space<hbm>>
      %dma_start3A_82 = tpu.memref_squeeze %dma_start3A_81 : memref<1x512x16xf32, #tpu.memory_space<hbm>> -> memref<512x16xf32, #tpu.memory_space<hbm>>
      %dma_start3A_83 = arith.constant 0 : i32
      %dma_start3A_84 = arith.constant 0 : i32
      %dma_start3A_85 = tpu.memref_slice %arg4[%add3A, %dma_start3A_83, %dma_start3A_84] : memref<32x512x16xf32, #tpu.memory_space<hbm>> -> memref<1x512x16xf32, #tpu.memory_space<hbm>>
      %dma_start3A_86 = tpu.memref_squeeze %dma_start3A_85 : memref<1x512x16xf32, #tpu.memory_space<hbm>> -> memref<512x16xf32, #tpu.memory_space<hbm>>
      tpu.enqueue_dma source(%arg6 : memref<512x16xf32, #tpu.memory_space<vmem>>) target(%dma_start3A_86 : memref<512x16xf32, #tpu.memory_space<hbm>>) target_semaphore(%run_scoped3A : memref<!tpu.dma_semaphore, #tpu.memory_space<semaphore_mem>>)
      %dma_wait3A_87 = arith.constant 0 : i32
      %dma_wait3A_88 = arith.constant 0 : i32
      %dma_wait3A_89 = tpu.memref_slice %arg4[%add3A, %dma_wait3A_87, %dma_wait3A_88] : memref<32x512x16xf32, #tpu.memory_space<hbm>> -> memref<1x512x16xf32, #tpu.memory_space<hbm>>
      %dma_wait3A_90 = tpu.memref_squeeze %dma_wait3A_89 : memref<1x512x16xf32, #tpu.memory_space<hbm>> -> memref<512x16xf32, #tpu.memory_space<hbm>>
      %dma_wait3A_91 = arith.constant 0 : i32
      %dma_wait3A_92 = arith.constant 0 : i32
      %dma_wait3A_93 = tpu.memref_slice %arg4[%add3A, %dma_wait3A_91, %dma_wait3A_92] : memref<32x512x16xf32, #tpu.memory_space<hbm>> -> memref<1x512x16xf32, #tpu.memory_space<hbm>>
      %dma_wait3A_94 = tpu.memref_squeeze %dma_wait3A_93 : memref<1x512x16xf32, #tpu.memory_space<hbm>> -> memref<512x16xf32, #tpu.memory_space<hbm>>
      tpu.wait_dma2 semaphore(%run_scoped3A : memref<!tpu.dma_semaphore, #tpu.memory_space<semaphore_mem>>) src(%arg6 : memref<512x16xf32, #tpu.memory_space<vmem>>) dst(%dma_wait3A_94 : memref<512x16xf32, #tpu.memory_space<hbm>>)
      tpu.yield
    }) : () -> ()
    return
  }
}

module attributes {stable_mosaic.version = 14 : i64} {
  func.func @_select_body(%arg0: i32, %arg1: i32, %arg2: memref<256x3xf32, #tpu.memory_space<vmem>>, %arg3: memref<3x4096xf32, #tpu.memory_space<vmem>>, %arg4: memref<256x8xi32, #tpu.memory_space<vmem>>, %arg5: memref<256x8xf32, #tpu.memory_space<vmem>>, %arg6: memref<256x4096xf32, #tpu.memory_space<vmem>>, %arg7: memref<256x4096xi32, #tpu.memory_space<vmem>>) attributes {dimension_semantics = [#tpu.dimension_semantics<parallel>, #tpu.dimension_semantics<arbitrary>], iteration_bounds = array<i64: 8, 16>, scalar_prefetch = 0 : i64, scratch_operands = 2 : i64, tpu.core_type = #tpu.core_type<tc>, window_params = [{transform_indices = @transform_0, window_bounds = array<i64: 256, 3>}, {transform_indices = @transform_1, window_bounds = array<i64: 3, 4096>}, {transform_indices = @transform_2, window_bounds = array<i64: 256, 8>}, {transform_indices = @transform_3, window_bounds = array<i64: 256, 8>}]} {
    %eq3A = arith.constant 0 : i32
    %eq3A_0 = arith.cmpi eq, %arg1, %eq3A : i32
    %convert_element_type3A = arith.extui %eq3A_0 : i1 to i32
    %cond3A = arith.constant 0 : i32
    %cond3A_1 = arith.cmpi ne, %convert_element_type3A, %cond3A : i32
    scf.if %cond3A_1 {
      %broadcast_in_dim3A_634 = arith.constant 1.000000e+09 : f32
      %broadcast_in_dim3A_635 = vector.broadcast %broadcast_in_dim3A_634 : f32 to vector<256x4096xf32>
      %swap3A = arith.constant 0 : index
      %swap3A_636 = arith.constant 0 : index
      %swap3A_637 = vector.load %arg6[%swap3A, %swap3A_636] : memref<256x4096xf32, #tpu.memory_space<vmem>>, vector<256x4096xf32>
      tpu.vector_store %arg6[%swap3A, %swap3A_636], %broadcast_in_dim3A_635 {strides = array<i32>} : memref<256x4096xf32, #tpu.memory_space<vmem>>, vector<256x4096xf32>,
      %broadcast_in_dim3A_638 = arith.constant 0 : i32
      %broadcast_in_dim3A_639 = vector.broadcast %broadcast_in_dim3A_638 : i32 to vector<256x4096xi32>
      %swap3A_640 = arith.constant 0 : index
      %swap3A_641 = arith.constant 0 : index
      %swap3A_642 = vector.load %arg7[%swap3A_640, %swap3A_641] : memref<256x4096xi32, #tpu.memory_space<vmem>>, vector<256x4096xi32>
      tpu.vector_store %arg7[%swap3A_640, %swap3A_641], %broadcast_in_dim3A_639 {strides = array<i32>} : memref<256x4096xi32, #tpu.memory_space<vmem>>, vector<256x4096xi32>,
    } else {
    }
    %get3A = arith.constant 0 : index
    %get3A_2 = arith.constant 0 : index
    %get3A_3 = vector.load %arg2[%get3A, %get3A_2] : memref<256x3xf32, #tpu.memory_space<vmem>>, vector<256x3xf32>
    %get3A_4 = arith.constant 0 : index
    %get3A_5 = arith.constant 0 : index
    %get3A_6 = vector.load %arg3[%get3A_4, %get3A_5] : memref<3x4096xf32, #tpu.memory_space<vmem>>, vector<3x4096xf32>
    %mul3A = arith.mulf %get3A_3, %get3A_3 : vector<256x3xf32>
    %reduce_sum3A = arith.constant dense<0.000000e+00> : vector<256xf32>
    %reduce_sum3A_7 = vector.multi_reduction <add>, %mul3A, %reduce_sum3A [1] : vector<256x3xf32> to vector<256xf32>
    %broadcast_in_dim3A = vector.shape_cast %reduce_sum3A_7 : vector<256xf32> to vector<256x1xf32>
    %mul3A_8 = arith.mulf %get3A_6, %get3A_6 : vector<3x4096xf32>
    %reduce_sum3A_9 = arith.constant dense<0.000000e+00> : vector<4096xf32>
    %reduce_sum3A_10 = vector.multi_reduction <add>, %mul3A_8, %reduce_sum3A_9 [0] : vector<3x4096xf32> to vector<4096xf32>
    %broadcast_in_dim3A_11 = vector.shape_cast %reduce_sum3A_10 : vector<4096xf32> to vector<1x4096xf32>
    %dot_general3A = arith.constant dense<0.000000e+00> : vector<256x4096xf32>
    %dot_general3A_12 = tpu.matmul %get3A_3, %get3A_6, %dot_general3A {dimension_numbers = #tpu.dot_dimension_numbers<[1], [0], [0], [1], [0, 0, 1, 1], [], []>, transpose_lhs_hint = false} : vector<256x3xf32>, vector<3x4096xf32>, vector<256x4096xf32> -> vector<256x4096xf32>
    %add3A = vector.broadcast %broadcast_in_dim3A : vector<256x1xf32> to vector<256x4096xf32>
    %add3A_13 = vector.broadcast %broadcast_in_dim3A_11 : vector<1x4096xf32> to vector<256x4096xf32>
    %add3A_14 = arith.addf %add3A, %add3A_13 : vector<256x4096xf32>
    %mul3A_15 = arith.constant 2.000000e+00 : f32
    %mul3A_16 = vector.broadcast %mul3A_15 : f32 to vector<256x4096xf32>
    %mul3A_17 = arith.mulf %mul3A_16, %dot_general3A_12 : vector<256x4096xf32>
    %sub3A = arith.subf %add3A_14, %mul3A_17 : vector<256x4096xf32>
    %broadcast_in_dim3A_18 = arith.constant 1.000000e+09 : f32
    %broadcast_in_dim3A_19 = vector.broadcast %broadcast_in_dim3A_18 : f32 to vector<256x128xf32>
    %broadcast_in_dim3A_20 = arith.constant 1.000000e+09 : f32
    %broadcast_in_dim3A_21 = vector.broadcast %broadcast_in_dim3A_20 : f32 to vector<256x128xf32>
    %broadcast_in_dim3A_22 = arith.constant 0 : i32
    %broadcast_in_dim3A_23 = vector.broadcast %broadcast_in_dim3A_22 : i32 to vector<256x128xi32>
    %broadcast_in_dim3A_24 = arith.constant 0 : i32
    %broadcast_in_dim3A_25 = vector.broadcast %broadcast_in_dim3A_24 : i32 to vector<256x128xi32>
    %broadcast_in_dim3A_26 = arith.constant 0 : i32
    %broadcast_in_dim3A_27 = vector.broadcast %broadcast_in_dim3A_26 : i32 to vector<256x128xi32>
    %slice3A = vector.extract_strided_slice %sub3A {offsets = [0, 0], sizes = [256, 128], strides = [1, 1]} : vector<256x4096xf32> to vector<256x128xf32>
    %lt3A = arith.constant 2.600000e-03 : f32
    %lt3A_28 = vector.broadcast %lt3A : f32 to vector<256x128xf32>
    %lt3A_29 = arith.cmpf olt, %slice3A, %lt3A_28 : vector<256x128xf32>
    %convert_element_type3A_30 = arith.extui %lt3A_29 : vector<256x128xi1> to vector<256x128xi32>
    %add3A_31 = arith.addi %broadcast_in_dim3A_27, %convert_element_type3A_30 : vector<256x128xi32>
    %lt3A_32 = arith.cmpf olt, %slice3A, %broadcast_in_dim3A_19 : vector<256x128xf32>
    %lt3A_33 = arith.cmpf olt, %slice3A, %broadcast_in_dim3A_21 : vector<256x128xf32>
    %min3A = arith.minimumf %broadcast_in_dim3A_21, %slice3A : vector<256x128xf32>
    %select_n3A = arith.select %lt3A_32, %broadcast_in_dim3A_19, %min3A : vector<256x128xi1>, vector<256x128xf32>
    %jit3A = arith.constant 0 : i32
    %broadcast_in_dim3A_34 = vector.broadcast %jit3A : i32 to vector<256x128xi32>
    %select_n3A_35 = arith.select %lt3A_33, %broadcast_in_dim3A_34, %broadcast_in_dim3A_25 : vector<256x128xi1>, vector<256x128xi32>
    %select_n3A_36 = arith.select %lt3A_32, %broadcast_in_dim3A_23, %select_n3A_35 : vector<256x128xi1>, vector<256x128xi32>
    %min3A_37 = arith.minimumf %broadcast_in_dim3A_19, %slice3A : vector<256x128xf32>
    %jit3A_38 = arith.constant 0 : i32
    %broadcast_in_dim3A_39 = vector.broadcast %jit3A_38 : i32 to vector<256x128xi32>
    %select_n3A_40 = arith.select %lt3A_32, %broadcast_in_dim3A_39, %broadcast_in_dim3A_23 : vector<256x128xi1>, vector<256x128xi32>
    %slice3A_41 = vector.extract_strided_slice %sub3A {offsets = [0, 128], sizes = [256, 128], strides = [1, 1]} : vector<256x4096xf32> to vector<256x128xf32>
    %lt3A_42 = arith.constant 2.600000e-03 : f32
    %lt3A_43 = vector.broadcast %lt3A_42 : f32 to vector<256x128xf32>
    %lt3A_44 = arith.cmpf olt, %slice3A_41, %lt3A_43 : vector<256x128xf32>
    %convert_element_type3A_45 = arith.extui %lt3A_44 : vector<256x128xi1> to vector<256x128xi32>
    %add3A_46 = arith.addi %add3A_31, %convert_element_type3A_45 : vector<256x128xi32>
    %lt3A_47 = arith.cmpf olt, %slice3A_41, %min3A_37 : vector<256x128xf32>
    %lt3A_48 = arith.cmpf olt, %slice3A_41, %select_n3A : vector<256x128xf32>
    %min3A_49 = arith.minimumf %select_n3A, %slice3A_41 : vector<256x128xf32>
    %select_n3A_50 = arith.select %lt3A_47, %min3A_37, %min3A_49 : vector<256x128xi1>, vector<256x128xf32>
    %jit3A_51 = arith.constant 1 : i32
    %broadcast_in_dim3A_52 = vector.broadcast %jit3A_51 : i32 to vector<256x128xi32>
    %select_n3A_53 = arith.select %lt3A_48, %broadcast_in_dim3A_52, %select_n3A_36 : vector<256x128xi1>, vector<256x128xi32>
    %select_n3A_54 = arith.select %lt3A_47, %select_n3A_40, %select_n3A_53 : vector<256x128xi1>, vector<256x128xi32>
    %min3A_55 = arith.minimumf %min3A_37, %slice3A_41 : vector<256x128xf32>
    %jit3A_56 = arith.constant 1 : i32
    %broadcast_in_dim3A_57 = vector.broadcast %jit3A_56 : i32 to vector<256x128xi32>
    %select_n3A_58 = arith.select %lt3A_47, %broadcast_in_dim3A_57, %select_n3A_40 : vector<256x128xi1>, vector<256x128xi32>
    %slice3A_59 = vector.extract_strided_slice %sub3A {offsets = [0, 256], sizes = [256, 128], strides = [1, 1]} : vector<256x4096xf32> to vector<256x128xf32>
    %lt3A_60 = arith.constant 2.600000e-03 : f32
    %lt3A_61 = vector.broadcast %lt3A_60 : f32 to vector<256x128xf32>
    %lt3A_62 = arith.cmpf olt, %slice3A_59, %lt3A_61 : vector<256x128xf32>
    %convert_element_type3A_63 = arith.extui %lt3A_62 : vector<256x128xi1> to vector<256x128xi32>
    %add3A_64 = arith.addi %add3A_46, %convert_element_type3A_63 : vector<256x128xi32>
    %lt3A_65 = arith.cmpf olt, %slice3A_59, %min3A_55 : vector<256x128xf32>
    %lt3A_66 = arith.cmpf olt, %slice3A_59, %select_n3A_50 : vector<256x128xf32>
    %min3A_67 = arith.minimumf %select_n3A_50, %slice3A_59 : vector<256x128xf32>
    %select_n3A_68 = arith.select %lt3A_65, %min3A_55, %min3A_67 : vector<256x128xi1>, vector<256x128xf32>
    %jit3A_69 = arith.constant 2 : i32
    %broadcast_in_dim3A_70 = vector.broadcast %jit3A_69 : i32 to vector<256x128xi32>
    %select_n3A_71 = arith.select %lt3A_66, %broadcast_in_dim3A_70, %select_n3A_54 : vector<256x128xi1>, vector<256x128xi32>
    %select_n3A_72 = arith.select %lt3A_65, %select_n3A_58, %select_n3A_71 : vector<256x128xi1>, vector<256x128xi32>
    %min3A_73 = arith.minimumf %min3A_55, %slice3A_59 : vector<256x128xf32>
    %jit3A_74 = arith.constant 2 : i32
    %broadcast_in_dim3A_75 = vector.broadcast %jit3A_74 : i32 to vector<256x128xi32>
    %select_n3A_76 = arith.select %lt3A_65, %broadcast_in_dim3A_75, %select_n3A_58 : vector<256x128xi1>, vector<256x128xi32>
    %slice3A_77 = vector.extract_strided_slice %sub3A {offsets = [0, 384], sizes = [256, 128], strides = [1, 1]} : vector<256x4096xf32> to vector<256x128xf32>
    %lt3A_78 = arith.constant 2.600000e-03 : f32
    %lt3A_79 = vector.broadcast %lt3A_78 : f32 to vector<256x128xf32>
    %lt3A_80 = arith.cmpf olt, %slice3A_77, %lt3A_79 : vector<256x128xf32>
    %convert_element_type3A_81 = arith.extui %lt3A_80 : vector<256x128xi1> to vector<256x128xi32>
    %add3A_82 = arith.addi %add3A_64, %convert_element_type3A_81 : vector<256x128xi32>
    %lt3A_83 = arith.cmpf olt, %slice3A_77, %min3A_73 : vector<256x128xf32>
    %lt3A_84 = arith.cmpf olt, %slice3A_77, %select_n3A_68 : vector<256x128xf32>
    %min3A_85 = arith.minimumf %select_n3A_68, %slice3A_77 : vector<256x128xf32>
    %select_n3A_86 = arith.select %lt3A_83, %min3A_73, %min3A_85 : vector<256x128xi1>, vector<256x128xf32>
    %jit3A_87 = arith.constant 3 : i32
    %broadcast_in_dim3A_88 = vector.broadcast %jit3A_87 : i32 to vector<256x128xi32>
    %select_n3A_89 = arith.select %lt3A_84, %broadcast_in_dim3A_88, %select_n3A_72 : vector<256x128xi1>, vector<256x128xi32>
    %select_n3A_90 = arith.select %lt3A_83, %select_n3A_76, %select_n3A_89 : vector<256x128xi1>, vector<256x128xi32>
    %min3A_91 = arith.minimumf %min3A_73, %slice3A_77 : vector<256x128xf32>
    %jit3A_92 = arith.constant 3 : i32
    %broadcast_in_dim3A_93 = vector.broadcast %jit3A_92 : i32 to vector<256x128xi32>
    %select_n3A_94 = arith.select %lt3A_83, %broadcast_in_dim3A_93, %select_n3A_76 : vector<256x128xi1>, vector<256x128xi32>
    %slice3A_95 = vector.extract_strided_slice %sub3A {offsets = [0, 512], sizes = [256, 128], strides = [1, 1]} : vector<256x4096xf32> to vector<256x128xf32>
    %lt3A_96 = arith.constant 2.600000e-03 : f32
    %lt3A_97 = vector.broadcast %lt3A_96 : f32 to vector<256x128xf32>
    %lt3A_98 = arith.cmpf olt, %slice3A_95, %lt3A_97 : vector<256x128xf32>
    %convert_element_type3A_99 = arith.extui %lt3A_98 : vector<256x128xi1> to vector<256x128xi32>
    %add3A_100 = arith.addi %add3A_82, %convert_element_type3A_99 : vector<256x128xi32>
    %lt3A_101 = arith.cmpf olt, %slice3A_95, %min3A_91 : vector<256x128xf32>
    %lt3A_102 = arith.cmpf olt, %slice3A_95, %select_n3A_86 : vector<256x128xf32>
    %min3A_103 = arith.minimumf %select_n3A_86, %slice3A_95 : vector<256x128xf32>
    %select_n3A_104 = arith.select %lt3A_101, %min3A_91, %min3A_103 : vector<256x128xi1>, vector<256x128xf32>
    %jit3A_105 = arith.constant 4 : i32
    %broadcast_in_dim3A_106 = vector.broadcast %jit3A_105 : i32 to vector<256x128xi32>
    %select_n3A_107 = arith.select %lt3A_102, %broadcast_in_dim3A_106, %select_n3A_90 : vector<256x128xi1>, vector<256x128xi32>
    %select_n3A_108 = arith.select %lt3A_101, %select_n3A_94, %select_n3A_107 : vector<256x128xi1>, vector<256x128xi32>
    %min3A_109 = arith.minimumf %min3A_91, %slice3A_95 : vector<256x128xf32>
    %jit3A_110 = arith.constant 4 : i32
    %broadcast_in_dim3A_111 = vector.broadcast %jit3A_110 : i32 to vector<256x128xi32>
    %select_n3A_112 = arith.select %lt3A_101, %broadcast_in_dim3A_111, %select_n3A_94 : vector<256x128xi1>, vector<256x128xi32>
    %slice3A_113 = vector.extract_strided_slice %sub3A {offsets = [0, 640], sizes = [256, 128], strides = [1, 1]} : vector<256x4096xf32> to vector<256x128xf32>
    %lt3A_114 = arith.constant 2.600000e-03 : f32
    %lt3A_115 = vector.broadcast %lt3A_114 : f32 to vector<256x128xf32>
    %lt3A_116 = arith.cmpf olt, %slice3A_113, %lt3A_115 : vector<256x128xf32>
    %convert_element_type3A_117 = arith.extui %lt3A_116 : vector<256x128xi1> to vector<256x128xi32>
    %add3A_118 = arith.addi %add3A_100, %convert_element_type3A_117 : vector<256x128xi32>
    %lt3A_119 = arith.cmpf olt, %slice3A_113, %min3A_109 : vector<256x128xf32>
    %lt3A_120 = arith.cmpf olt, %slice3A_113, %select_n3A_104 : vector<256x128xf32>
    %min3A_121 = arith.minimumf %select_n3A_104, %slice3A_113 : vector<256x128xf32>
    %select_n3A_122 = arith.select %lt3A_119, %min3A_109, %min3A_121 : vector<256x128xi1>, vector<256x128xf32>
    %jit3A_123 = arith.constant 5 : i32
    %broadcast_in_dim3A_124 = vector.broadcast %jit3A_123 : i32 to vector<256x128xi32>
    %select_n3A_125 = arith.select %lt3A_120, %broadcast_in_dim3A_124, %select_n3A_108 : vector<256x128xi1>, vector<256x128xi32>
    %select_n3A_126 = arith.select %lt3A_119, %select_n3A_112, %select_n3A_125 : vector<256x128xi1>, vector<256x128xi32>
    %min3A_127 = arith.minimumf %min3A_109, %slice3A_113 : vector<256x128xf32>
    %jit3A_128 = arith.constant 5 : i32
    %broadcast_in_dim3A_129 = vector.broadcast %jit3A_128 : i32 to vector<256x128xi32>
    %select_n3A_130 = arith.select %lt3A_119, %broadcast_in_dim3A_129, %select_n3A_112 : vector<256x128xi1>, vector<256x128xi32>
    %slice3A_131 = vector.extract_strided_slice %sub3A {offsets = [0, 768], sizes = [256, 128], strides = [1, 1]} : vector<256x4096xf32> to vector<256x128xf32>
    %lt3A_132 = arith.constant 2.600000e-03 : f32
    %lt3A_133 = vector.broadcast %lt3A_132 : f32 to vector<256x128xf32>
    %lt3A_134 = arith.cmpf olt, %slice3A_131, %lt3A_133 : vector<256x128xf32>
    %convert_element_type3A_135 = arith.extui %lt3A_134 : vector<256x128xi1> to vector<256x128xi32>
    %add3A_136 = arith.addi %add3A_118, %convert_element_type3A_135 : vector<256x128xi32>
    %lt3A_137 = arith.cmpf olt, %slice3A_131, %min3A_127 : vector<256x128xf32>
    %lt3A_138 = arith.cmpf olt, %slice3A_131, %select_n3A_122 : vector<256x128xf32>
    %min3A_139 = arith.minimumf %select_n3A_122, %slice3A_131 : vector<256x128xf32>
    %select_n3A_140 = arith.select %lt3A_137, %min3A_127, %min3A_139 : vector<256x128xi1>, vector<256x128xf32>
    %jit3A_141 = arith.constant 6 : i32
    %broadcast_in_dim3A_142 = vector.broadcast %jit3A_141 : i32 to vector<256x128xi32>
    %select_n3A_143 = arith.select %lt3A_138, %broadcast_in_dim3A_142, %select_n3A_126 : vector<256x128xi1>, vector<256x128xi32>
    %select_n3A_144 = arith.select %lt3A_137, %select_n3A_130, %select_n3A_143 : vector<256x128xi1>, vector<256x128xi32>
    %min3A_145 = arith.minimumf %min3A_127, %slice3A_131 : vector<256x128xf32>
    %jit3A_146 = arith.constant 6 : i32
    %broadcast_in_dim3A_147 = vector.broadcast %jit3A_146 : i32 to vector<256x128xi32>
    %select_n3A_148 = arith.select %lt3A_137, %broadcast_in_dim3A_147, %select_n3A_130 : vector<256x128xi1>, vector<256x128xi32>
    %slice3A_149 = vector.extract_strided_slice %sub3A {offsets = [0, 896], sizes = [256, 128], strides = [1, 1]} : vector<256x4096xf32> to vector<256x128xf32>
    %lt3A_150 = arith.constant 2.600000e-03 : f32
    %lt3A_151 = vector.broadcast %lt3A_150 : f32 to vector<256x128xf32>
    %lt3A_152 = arith.cmpf olt, %slice3A_149, %lt3A_151 : vector<256x128xf32>
    %convert_element_type3A_153 = arith.extui %lt3A_152 : vector<256x128xi1> to vector<256x128xi32>
    %add3A_154 = arith.addi %add3A_136, %convert_element_type3A_153 : vector<256x128xi32>
    %lt3A_155 = arith.cmpf olt, %slice3A_149, %min3A_145 : vector<256x128xf32>
    %lt3A_156 = arith.cmpf olt, %slice3A_149, %select_n3A_140 : vector<256x128xf32>
    %min3A_157 = arith.minimumf %select_n3A_140, %slice3A_149 : vector<256x128xf32>
    %select_n3A_158 = arith.select %lt3A_155, %min3A_145, %min3A_157 : vector<256x128xi1>, vector<256x128xf32>
    %jit3A_159 = arith.constant 7 : i32
    %broadcast_in_dim3A_160 = vector.broadcast %jit3A_159 : i32 to vector<256x128xi32>
    %select_n3A_161 = arith.select %lt3A_156, %broadcast_in_dim3A_160, %select_n3A_144 : vector<256x128xi1>, vector<256x128xi32>
    %select_n3A_162 = arith.select %lt3A_155, %select_n3A_148, %select_n3A_161 : vector<256x128xi1>, vector<256x128xi32>
    %min3A_163 = arith.minimumf %min3A_145, %slice3A_149 : vector<256x128xf32>
    %jit3A_164 = arith.constant 7 : i32
    %broadcast_in_dim3A_165 = vector.broadcast %jit3A_164 : i32 to vector<256x128xi32>
    %select_n3A_166 = arith.select %lt3A_155, %broadcast_in_dim3A_165, %select_n3A_148 : vector<256x128xi1>, vector<256x128xi32>
    %slice3A_167 = vector.extract_strided_slice %sub3A {offsets = [0, 1024], sizes = [256, 128], strides = [1, 1]} : vector<256x4096xf32> to vector<256x128xf32>
    %lt3A_168 = arith.constant 2.600000e-03 : f32
    %lt3A_169 = vector.broadcast %lt3A_168 : f32 to vector<256x128xf32>
    %lt3A_170 = arith.cmpf olt, %slice3A_167, %lt3A_169 : vector<256x128xf32>
    %convert_element_type3A_171 = arith.extui %lt3A_170 : vector<256x128xi1> to vector<256x128xi32>
    %add3A_172 = arith.addi %add3A_154, %convert_element_type3A_171 : vector<256x128xi32>
    %lt3A_173 = arith.cmpf olt, %slice3A_167, %min3A_163 : vector<256x128xf32>
    %lt3A_174 = arith.cmpf olt, %slice3A_167, %select_n3A_158 : vector<256x128xf32>
    %min3A_175 = arith.minimumf %select_n3A_158, %slice3A_167 : vector<256x128xf32>
    %select_n3A_176 = arith.select %lt3A_173, %min3A_163, %min3A_175 : vector<256x128xi1>, vector<256x128xf32>
    %jit3A_177 = arith.constant 8 : i32
    %broadcast_in_dim3A_178 = vector.broadcast %jit3A_177 : i32 to vector<256x128xi32>
    %select_n3A_179 = arith.select %lt3A_174, %broadcast_in_dim3A_178, %select_n3A_162 : vector<256x128xi1>, vector<256x128xi32>
    %select_n3A_180 = arith.select %lt3A_173, %select_n3A_166, %select_n3A_179 : vector<256x128xi1>, vector<256x128xi32>
    %min3A_181 = arith.minimumf %min3A_163, %slice3A_167 : vector<256x128xf32>
    %jit3A_182 = arith.constant 8 : i32
    %broadcast_in_dim3A_183 = vector.broadcast %jit3A_182 : i32 to vector<256x128xi32>
    %select_n3A_184 = arith.select %lt3A_173, %broadcast_in_dim3A_183, %select_n3A_166 : vector<256x128xi1>, vector<256x128xi32>
    %slice3A_185 = vector.extract_strided_slice %sub3A {offsets = [0, 1152], sizes = [256, 128], strides = [1, 1]} : vector<256x4096xf32> to vector<256x128xf32>
    %lt3A_186 = arith.constant 2.600000e-03 : f32
    %lt3A_187 = vector.broadcast %lt3A_186 : f32 to vector<256x128xf32>
    %lt3A_188 = arith.cmpf olt, %slice3A_185, %lt3A_187 : vector<256x128xf32>
    %convert_element_type3A_189 = arith.extui %lt3A_188 : vector<256x128xi1> to vector<256x128xi32>
    %add3A_190 = arith.addi %add3A_172, %convert_element_type3A_189 : vector<256x128xi32>
    %lt3A_191 = arith.cmpf olt, %slice3A_185, %min3A_181 : vector<256x128xf32>
    %lt3A_192 = arith.cmpf olt, %slice3A_185, %select_n3A_176 : vector<256x128xf32>
    %min3A_193 = arith.minimumf %select_n3A_176, %slice3A_185 : vector<256x128xf32>
    %select_n3A_194 = arith.select %lt3A_191, %min3A_181, %min3A_193 : vector<256x128xi1>, vector<256x128xf32>
    %jit3A_195 = arith.constant 9 : i32
    %broadcast_in_dim3A_196 = vector.broadcast %jit3A_195 : i32 to vector<256x128xi32>
    %select_n3A_197 = arith.select %lt3A_192, %broadcast_in_dim3A_196, %select_n3A_180 : vector<256x128xi1>, vector<256x128xi32>
    %select_n3A_198 = arith.select %lt3A_191, %select_n3A_184, %select_n3A_197 : vector<256x128xi1>, vector<256x128xi32>
    %min3A_199 = arith.minimumf %min3A_181, %slice3A_185 : vector<256x128xf32>
    %jit3A_200 = arith.constant 9 : i32
    %broadcast_in_dim3A_201 = vector.broadcast %jit3A_200 : i32 to vector<256x128xi32>
    %select_n3A_202 = arith.select %lt3A_191, %broadcast_in_dim3A_201, %select_n3A_184 : vector<256x128xi1>, vector<256x128xi32>
    %slice3A_203 = vector.extract_strided_slice %sub3A {offsets = [0, 1280], sizes = [256, 128], strides = [1, 1]} : vector<256x4096xf32> to vector<256x128xf32>
    %lt3A_204 = arith.constant 2.600000e-03 : f32
    %lt3A_205 = vector.broadcast %lt3A_204 : f32 to vector<256x128xf32>
    %lt3A_206 = arith.cmpf olt, %slice3A_203, %lt3A_205 : vector<256x128xf32>
    %convert_element_type3A_207 = arith.extui %lt3A_206 : vector<256x128xi1> to vector<256x128xi32>
    %add3A_208 = arith.addi %add3A_190, %convert_element_type3A_207 : vector<256x128xi32>
    %lt3A_209 = arith.cmpf olt, %slice3A_203, %min3A_199 : vector<256x128xf32>
    %lt3A_210 = arith.cmpf olt, %slice3A_203, %select_n3A_194 : vector<256x128xf32>
    %min3A_211 = arith.minimumf %select_n3A_194, %slice3A_203 : vector<256x128xf32>
    %select_n3A_212 = arith.select %lt3A_209, %min3A_199, %min3A_211 : vector<256x128xi1>, vector<256x128xf32>
    %jit3A_213 = arith.constant 10 : i32
    %broadcast_in_dim3A_214 = vector.broadcast %jit3A_213 : i32 to vector<256x128xi32>
    %select_n3A_215 = arith.select %lt3A_210, %broadcast_in_dim3A_214, %select_n3A_198 : vector<256x128xi1>, vector<256x128xi32>
    %select_n3A_216 = arith.select %lt3A_209, %select_n3A_202, %select_n3A_215 : vector<256x128xi1>, vector<256x128xi32>
    %min3A_217 = arith.minimumf %min3A_199, %slice3A_203 : vector<256x128xf32>
    %jit3A_218 = arith.constant 10 : i32
    %broadcast_in_dim3A_219 = vector.broadcast %jit3A_218 : i32 to vector<256x128xi32>
    %select_n3A_220 = arith.select %lt3A_209, %broadcast_in_dim3A_219, %select_n3A_202 : vector<256x128xi1>, vector<256x128xi32>
    %slice3A_221 = vector.extract_strided_slice %sub3A {offsets = [0, 1408], sizes = [256, 128], strides = [1, 1]} : vector<256x4096xf32> to vector<256x128xf32>
    %lt3A_222 = arith.constant 2.600000e-03 : f32
    %lt3A_223 = vector.broadcast %lt3A_222 : f32 to vector<256x128xf32>
    %lt3A_224 = arith.cmpf olt, %slice3A_221, %lt3A_223 : vector<256x128xf32>
    %convert_element_type3A_225 = arith.extui %lt3A_224 : vector<256x128xi1> to vector<256x128xi32>
    %add3A_226 = arith.addi %add3A_208, %convert_element_type3A_225 : vector<256x128xi32>
    %lt3A_227 = arith.cmpf olt, %slice3A_221, %min3A_217 : vector<256x128xf32>
    %lt3A_228 = arith.cmpf olt, %slice3A_221, %select_n3A_212 : vector<256x128xf32>
    %min3A_229 = arith.minimumf %select_n3A_212, %slice3A_221 : vector<256x128xf32>
    %select_n3A_230 = arith.select %lt3A_227, %min3A_217, %min3A_229 : vector<256x128xi1>, vector<256x128xf32>
    %jit3A_231 = arith.constant 11 : i32
    %broadcast_in_dim3A_232 = vector.broadcast %jit3A_231 : i32 to vector<256x128xi32>
    %select_n3A_233 = arith.select %lt3A_228, %broadcast_in_dim3A_232, %select_n3A_216 : vector<256x128xi1>, vector<256x128xi32>
    %select_n3A_234 = arith.select %lt3A_227, %select_n3A_220, %select_n3A_233 : vector<256x128xi1>, vector<256x128xi32>
    %min3A_235 = arith.minimumf %min3A_217, %slice3A_221 : vector<256x128xf32>
    %jit3A_236 = arith.constant 11 : i32
    %broadcast_in_dim3A_237 = vector.broadcast %jit3A_236 : i32 to vector<256x128xi32>
    %select_n3A_238 = arith.select %lt3A_227, %broadcast_in_dim3A_237, %select_n3A_220 : vector<256x128xi1>, vector<256x128xi32>
    %slice3A_239 = vector.extract_strided_slice %sub3A {offsets = [0, 1536], sizes = [256, 128], strides = [1, 1]} : vector<256x4096xf32> to vector<256x128xf32>
    %lt3A_240 = arith.constant 2.600000e-03 : f32
    %lt3A_241 = vector.broadcast %lt3A_240 : f32 to vector<256x128xf32>
    %lt3A_242 = arith.cmpf olt, %slice3A_239, %lt3A_241 : vector<256x128xf32>
    %convert_element_type3A_243 = arith.extui %lt3A_242 : vector<256x128xi1> to vector<256x128xi32>
    %add3A_244 = arith.addi %add3A_226, %convert_element_type3A_243 : vector<256x128xi32>
    %lt3A_245 = arith.cmpf olt, %slice3A_239, %min3A_235 : vector<256x128xf32>
    %lt3A_246 = arith.cmpf olt, %slice3A_239, %select_n3A_230 : vector<256x128xf32>
    %min3A_247 = arith.minimumf %select_n3A_230, %slice3A_239 : vector<256x128xf32>
    %select_n3A_248 = arith.select %lt3A_245, %min3A_235, %min3A_247 : vector<256x128xi1>, vector<256x128xf32>
    %jit3A_249 = arith.constant 12 : i32
    %broadcast_in_dim3A_250 = vector.broadcast %jit3A_249 : i32 to vector<256x128xi32>
    %select_n3A_251 = arith.select %lt3A_246, %broadcast_in_dim3A_250, %select_n3A_234 : vector<256x128xi1>, vector<256x128xi32>
    %select_n3A_252 = arith.select %lt3A_245, %select_n3A_238, %select_n3A_251 : vector<256x128xi1>, vector<256x128xi32>
    %min3A_253 = arith.minimumf %min3A_235, %slice3A_239 : vector<256x128xf32>
    %jit3A_254 = arith.constant 12 : i32
    %broadcast_in_dim3A_255 = vector.broadcast %jit3A_254 : i32 to vector<256x128xi32>
    %select_n3A_256 = arith.select %lt3A_245, %broadcast_in_dim3A_255, %select_n3A_238 : vector<256x128xi1>, vector<256x128xi32>
    %slice3A_257 = vector.extract_strided_slice %sub3A {offsets = [0, 1664], sizes = [256, 128], strides = [1, 1]} : vector<256x4096xf32> to vector<256x128xf32>
    %lt3A_258 = arith.constant 2.600000e-03 : f32
    %lt3A_259 = vector.broadcast %lt3A_258 : f32 to vector<256x128xf32>
    %lt3A_260 = arith.cmpf olt, %slice3A_257, %lt3A_259 : vector<256x128xf32>
    %convert_element_type3A_261 = arith.extui %lt3A_260 : vector<256x128xi1> to vector<256x128xi32>
    %add3A_262 = arith.addi %add3A_244, %convert_element_type3A_261 : vector<256x128xi32>
    %lt3A_263 = arith.cmpf olt, %slice3A_257, %min3A_253 : vector<256x128xf32>
    %lt3A_264 = arith.cmpf olt, %slice3A_257, %select_n3A_248 : vector<256x128xf32>
    %min3A_265 = arith.minimumf %select_n3A_248, %slice3A_257 : vector<256x128xf32>
    %select_n3A_266 = arith.select %lt3A_263, %min3A_253, %min3A_265 : vector<256x128xi1>, vector<256x128xf32>
    %jit3A_267 = arith.constant 13 : i32
    %broadcast_in_dim3A_268 = vector.broadcast %jit3A_267 : i32 to vector<256x128xi32>
    %select_n3A_269 = arith.select %lt3A_264, %broadcast_in_dim3A_268, %select_n3A_252 : vector<256x128xi1>, vector<256x128xi32>
    %select_n3A_270 = arith.select %lt3A_263, %select_n3A_256, %select_n3A_269 : vector<256x128xi1>, vector<256x128xi32>
    %min3A_271 = arith.minimumf %min3A_253, %slice3A_257 : vector<256x128xf32>
    %jit3A_272 = arith.constant 13 : i32
    %broadcast_in_dim3A_273 = vector.broadcast %jit3A_272 : i32 to vector<256x128xi32>
    %select_n3A_274 = arith.select %lt3A_263, %broadcast_in_dim3A_273, %select_n3A_256 : vector<256x128xi1>, vector<256x128xi32>
    %slice3A_275 = vector.extract_strided_slice %sub3A {offsets = [0, 1792], sizes = [256, 128], strides = [1, 1]} : vector<256x4096xf32> to vector<256x128xf32>
    %lt3A_276 = arith.constant 2.600000e-03 : f32
    %lt3A_277 = vector.broadcast %lt3A_276 : f32 to vector<256x128xf32>
    %lt3A_278 = arith.cmpf olt, %slice3A_275, %lt3A_277 : vector<256x128xf32>
    %convert_element_type3A_279 = arith.extui %lt3A_278 : vector<256x128xi1> to vector<256x128xi32>
    %add3A_280 = arith.addi %add3A_262, %convert_element_type3A_279 : vector<256x128xi32>
    %lt3A_281 = arith.cmpf olt, %slice3A_275, %min3A_271 : vector<256x128xf32>
    %lt3A_282 = arith.cmpf olt, %slice3A_275, %select_n3A_266 : vector<256x128xf32>
    %min3A_283 = arith.minimumf %select_n3A_266, %slice3A_275 : vector<256x128xf32>
    %select_n3A_284 = arith.select %lt3A_281, %min3A_271, %min3A_283 : vector<256x128xi1>, vector<256x128xf32>
    %jit3A_285 = arith.constant 14 : i32
    %broadcast_in_dim3A_286 = vector.broadcast %jit3A_285 : i32 to vector<256x128xi32>
    %select_n3A_287 = arith.select %lt3A_282, %broadcast_in_dim3A_286, %select_n3A_270 : vector<256x128xi1>, vector<256x128xi32>
    %select_n3A_288 = arith.select %lt3A_281, %select_n3A_274, %select_n3A_287 : vector<256x128xi1>, vector<256x128xi32>
    %min3A_289 = arith.minimumf %min3A_271, %slice3A_275 : vector<256x128xf32>
    %jit3A_290 = arith.constant 14 : i32
    %broadcast_in_dim3A_291 = vector.broadcast %jit3A_290 : i32 to vector<256x128xi32>
    %select_n3A_292 = arith.select %lt3A_281, %broadcast_in_dim3A_291, %select_n3A_274 : vector<256x128xi1>, vector<256x128xi32>
    %slice3A_293 = vector.extract_strided_slice %sub3A {offsets = [0, 1920], sizes = [256, 128], strides = [1, 1]} : vector<256x4096xf32> to vector<256x128xf32>
    %lt3A_294 = arith.constant 2.600000e-03 : f32
    %lt3A_295 = vector.broadcast %lt3A_294 : f32 to vector<256x128xf32>
    %lt3A_296 = arith.cmpf olt, %slice3A_293, %lt3A_295 : vector<256x128xf32>
    %convert_element_type3A_297 = arith.extui %lt3A_296 : vector<256x128xi1> to vector<256x128xi32>
    %add3A_298 = arith.addi %add3A_280, %convert_element_type3A_297 : vector<256x128xi32>
    %lt3A_299 = arith.cmpf olt, %slice3A_293, %min3A_289 : vector<256x128xf32>
    %lt3A_300 = arith.cmpf olt, %slice3A_293, %select_n3A_284 : vector<256x128xf32>
    %min3A_301 = arith.minimumf %select_n3A_284, %slice3A_293 : vector<256x128xf32>
    %select_n3A_302 = arith.select %lt3A_299, %min3A_289, %min3A_301 : vector<256x128xi1>, vector<256x128xf32>
    %jit3A_303 = arith.constant 15 : i32
    %broadcast_in_dim3A_304 = vector.broadcast %jit3A_303 : i32 to vector<256x128xi32>
    %select_n3A_305 = arith.select %lt3A_300, %broadcast_in_dim3A_304, %select_n3A_288 : vector<256x128xi1>, vector<256x128xi32>
    %select_n3A_306 = arith.select %lt3A_299, %select_n3A_292, %select_n3A_305 : vector<256x128xi1>, vector<256x128xi32>
    %min3A_307 = arith.minimumf %min3A_289, %slice3A_293 : vector<256x128xf32>
    %jit3A_308 = arith.constant 15 : i32
    %broadcast_in_dim3A_309 = vector.broadcast %jit3A_308 : i32 to vector<256x128xi32>
    %select_n3A_310 = arith.select %lt3A_299, %broadcast_in_dim3A_309, %select_n3A_292 : vector<256x128xi1>, vector<256x128xi32>
    %slice3A_311 = vector.extract_strided_slice %sub3A {offsets = [0, 2048], sizes = [256, 128], strides = [1, 1]} : vector<256x4096xf32> to vector<256x128xf32>
    %lt3A_312 = arith.constant 2.600000e-03 : f32
    %lt3A_313 = vector.broadcast %lt3A_312 : f32 to vector<256x128xf32>
    %lt3A_314 = arith.cmpf olt, %slice3A_311, %lt3A_313 : vector<256x128xf32>
    %convert_element_type3A_315 = arith.extui %lt3A_314 : vector<256x128xi1> to vector<256x128xi32>
    %add3A_316 = arith.addi %add3A_298, %convert_element_type3A_315 : vector<256x128xi32>
    %lt3A_317 = arith.cmpf olt, %slice3A_311, %min3A_307 : vector<256x128xf32>
    %lt3A_318 = arith.cmpf olt, %slice3A_311, %select_n3A_302 : vector<256x128xf32>
    %min3A_319 = arith.minimumf %select_n3A_302, %slice3A_311 : vector<256x128xf32>
    %select_n3A_320 = arith.select %lt3A_317, %min3A_307, %min3A_319 : vector<256x128xi1>, vector<256x128xf32>
    %jit3A_321 = arith.constant 16 : i32
    %broadcast_in_dim3A_322 = vector.broadcast %jit3A_321 : i32 to vector<256x128xi32>
    %select_n3A_323 = arith.select %lt3A_318, %broadcast_in_dim3A_322, %select_n3A_306 : vector<256x128xi1>, vector<256x128xi32>
    %select_n3A_324 = arith.select %lt3A_317, %select_n3A_310, %select_n3A_323 : vector<256x128xi1>, vector<256x128xi32>
    %min3A_325 = arith.minimumf %min3A_307, %slice3A_311 : vector<256x128xf32>
    %jit3A_326 = arith.constant 16 : i32
    %broadcast_in_dim3A_327 = vector.broadcast %jit3A_326 : i32 to vector<256x128xi32>
    %select_n3A_328 = arith.select %lt3A_317, %broadcast_in_dim3A_327, %select_n3A_310 : vector<256x128xi1>, vector<256x128xi32>
    %slice3A_329 = vector.extract_strided_slice %sub3A {offsets = [0, 2176], sizes = [256, 128], strides = [1, 1]} : vector<256x4096xf32> to vector<256x128xf32>
    %lt3A_330 = arith.constant 2.600000e-03 : f32
    %lt3A_331 = vector.broadcast %lt3A_330 : f32 to vector<256x128xf32>
    %lt3A_332 = arith.cmpf olt, %slice3A_329, %lt3A_331 : vector<256x128xf32>
    %convert_element_type3A_333 = arith.extui %lt3A_332 : vector<256x128xi1> to vector<256x128xi32>
    %add3A_334 = arith.addi %add3A_316, %convert_element_type3A_333 : vector<256x128xi32>
    %lt3A_335 = arith.cmpf olt, %slice3A_329, %min3A_325 : vector<256x128xf32>
    %lt3A_336 = arith.cmpf olt, %slice3A_329, %select_n3A_320 : vector<256x128xf32>
    %min3A_337 = arith.minimumf %select_n3A_320, %slice3A_329 : vector<256x128xf32>
    %select_n3A_338 = arith.select %lt3A_335, %min3A_325, %min3A_337 : vector<256x128xi1>, vector<256x128xf32>
    %jit3A_339 = arith.constant 17 : i32
    %broadcast_in_dim3A_340 = vector.broadcast %jit3A_339 : i32 to vector<256x128xi32>
    %select_n3A_341 = arith.select %lt3A_336, %broadcast_in_dim3A_340, %select_n3A_324 : vector<256x128xi1>, vector<256x128xi32>
    %select_n3A_342 = arith.select %lt3A_335, %select_n3A_328, %select_n3A_341 : vector<256x128xi1>, vector<256x128xi32>
    %min3A_343 = arith.minimumf %min3A_325, %slice3A_329 : vector<256x128xf32>
    %jit3A_344 = arith.constant 17 : i32
    %broadcast_in_dim3A_345 = vector.broadcast %jit3A_344 : i32 to vector<256x128xi32>
    %select_n3A_346 = arith.select %lt3A_335, %broadcast_in_dim3A_345, %select_n3A_328 : vector<256x128xi1>, vector<256x128xi32>
    %slice3A_347 = vector.extract_strided_slice %sub3A {offsets = [0, 2304], sizes = [256, 128], strides = [1, 1]} : vector<256x4096xf32> to vector<256x128xf32>
    %lt3A_348 = arith.constant 2.600000e-03 : f32
    %lt3A_349 = vector.broadcast %lt3A_348 : f32 to vector<256x128xf32>
    %lt3A_350 = arith.cmpf olt, %slice3A_347, %lt3A_349 : vector<256x128xf32>
    %convert_element_type3A_351 = arith.extui %lt3A_350 : vector<256x128xi1> to vector<256x128xi32>
    %add3A_352 = arith.addi %add3A_334, %convert_element_type3A_351 : vector<256x128xi32>
    %lt3A_353 = arith.cmpf olt, %slice3A_347, %min3A_343 : vector<256x128xf32>
    %lt3A_354 = arith.cmpf olt, %slice3A_347, %select_n3A_338 : vector<256x128xf32>
    %min3A_355 = arith.minimumf %select_n3A_338, %slice3A_347 : vector<256x128xf32>
    %select_n3A_356 = arith.select %lt3A_353, %min3A_343, %min3A_355 : vector<256x128xi1>, vector<256x128xf32>
    %jit3A_357 = arith.constant 18 : i32
    %broadcast_in_dim3A_358 = vector.broadcast %jit3A_357 : i32 to vector<256x128xi32>
    %select_n3A_359 = arith.select %lt3A_354, %broadcast_in_dim3A_358, %select_n3A_342 : vector<256x128xi1>, vector<256x128xi32>
    %select_n3A_360 = arith.select %lt3A_353, %select_n3A_346, %select_n3A_359 : vector<256x128xi1>, vector<256x128xi32>
    %min3A_361 = arith.minimumf %min3A_343, %slice3A_347 : vector<256x128xf32>
    %jit3A_362 = arith.constant 18 : i32
    %broadcast_in_dim3A_363 = vector.broadcast %jit3A_362 : i32 to vector<256x128xi32>
    %select_n3A_364 = arith.select %lt3A_353, %broadcast_in_dim3A_363, %select_n3A_346 : vector<256x128xi1>, vector<256x128xi32>
    %slice3A_365 = vector.extract_strided_slice %sub3A {offsets = [0, 2432], sizes = [256, 128], strides = [1, 1]} : vector<256x4096xf32> to vector<256x128xf32>
    %lt3A_366 = arith.constant 2.600000e-03 : f32
    %lt3A_367 = vector.broadcast %lt3A_366 : f32 to vector<256x128xf32>
    %lt3A_368 = arith.cmpf olt, %slice3A_365, %lt3A_367 : vector<256x128xf32>
    %convert_element_type3A_369 = arith.extui %lt3A_368 : vector<256x128xi1> to vector<256x128xi32>
    %add3A_370 = arith.addi %add3A_352, %convert_element_type3A_369 : vector<256x128xi32>
    %lt3A_371 = arith.cmpf olt, %slice3A_365, %min3A_361 : vector<256x128xf32>
    %lt3A_372 = arith.cmpf olt, %slice3A_365, %select_n3A_356 : vector<256x128xf32>
    %min3A_373 = arith.minimumf %select_n3A_356, %slice3A_365 : vector<256x128xf32>
    %select_n3A_374 = arith.select %lt3A_371, %min3A_361, %min3A_373 : vector<256x128xi1>, vector<256x128xf32>
    %jit3A_375 = arith.constant 19 : i32
    %broadcast_in_dim3A_376 = vector.broadcast %jit3A_375 : i32 to vector<256x128xi32>
    %select_n3A_377 = arith.select %lt3A_372, %broadcast_in_dim3A_376, %select_n3A_360 : vector<256x128xi1>, vector<256x128xi32>
    %select_n3A_378 = arith.select %lt3A_371, %select_n3A_364, %select_n3A_377 : vector<256x128xi1>, vector<256x128xi32>
    %min3A_379 = arith.minimumf %min3A_361, %slice3A_365 : vector<256x128xf32>
    %jit3A_380 = arith.constant 19 : i32
    %broadcast_in_dim3A_381 = vector.broadcast %jit3A_380 : i32 to vector<256x128xi32>
    %select_n3A_382 = arith.select %lt3A_371, %broadcast_in_dim3A_381, %select_n3A_364 : vector<256x128xi1>, vector<256x128xi32>
    %slice3A_383 = vector.extract_strided_slice %sub3A {offsets = [0, 2560], sizes = [256, 128], strides = [1, 1]} : vector<256x4096xf32> to vector<256x128xf32>
    %lt3A_384 = arith.constant 2.600000e-03 : f32
    %lt3A_385 = vector.broadcast %lt3A_384 : f32 to vector<256x128xf32>
    %lt3A_386 = arith.cmpf olt, %slice3A_383, %lt3A_385 : vector<256x128xf32>
    %convert_element_type3A_387 = arith.extui %lt3A_386 : vector<256x128xi1> to vector<256x128xi32>
    %add3A_388 = arith.addi %add3A_370, %convert_element_type3A_387 : vector<256x128xi32>
    %lt3A_389 = arith.cmpf olt, %slice3A_383, %min3A_379 : vector<256x128xf32>
    %lt3A_390 = arith.cmpf olt, %slice3A_383, %select_n3A_374 : vector<256x128xf32>
    %min3A_391 = arith.minimumf %select_n3A_374, %slice3A_383 : vector<256x128xf32>
    %select_n3A_392 = arith.select %lt3A_389, %min3A_379, %min3A_391 : vector<256x128xi1>, vector<256x128xf32>
    %jit3A_393 = arith.constant 20 : i32
    %broadcast_in_dim3A_394 = vector.broadcast %jit3A_393 : i32 to vector<256x128xi32>
    %select_n3A_395 = arith.select %lt3A_390, %broadcast_in_dim3A_394, %select_n3A_378 : vector<256x128xi1>, vector<256x128xi32>
    %select_n3A_396 = arith.select %lt3A_389, %select_n3A_382, %select_n3A_395 : vector<256x128xi1>, vector<256x128xi32>
    %min3A_397 = arith.minimumf %min3A_379, %slice3A_383 : vector<256x128xf32>
    %jit3A_398 = arith.constant 20 : i32
    %broadcast_in_dim3A_399 = vector.broadcast %jit3A_398 : i32 to vector<256x128xi32>
    %select_n3A_400 = arith.select %lt3A_389, %broadcast_in_dim3A_399, %select_n3A_382 : vector<256x128xi1>, vector<256x128xi32>
    %slice3A_401 = vector.extract_strided_slice %sub3A {offsets = [0, 2688], sizes = [256, 128], strides = [1, 1]} : vector<256x4096xf32> to vector<256x128xf32>
    %lt3A_402 = arith.constant 2.600000e-03 : f32
    %lt3A_403 = vector.broadcast %lt3A_402 : f32 to vector<256x128xf32>
    %lt3A_404 = arith.cmpf olt, %slice3A_401, %lt3A_403 : vector<256x128xf32>
    %convert_element_type3A_405 = arith.extui %lt3A_404 : vector<256x128xi1> to vector<256x128xi32>
    %add3A_406 = arith.addi %add3A_388, %convert_element_type3A_405 : vector<256x128xi32>
    %lt3A_407 = arith.cmpf olt, %slice3A_401, %min3A_397 : vector<256x128xf32>
    %lt3A_408 = arith.cmpf olt, %slice3A_401, %select_n3A_392 : vector<256x128xf32>
    %min3A_409 = arith.minimumf %select_n3A_392, %slice3A_401 : vector<256x128xf32>
    %select_n3A_410 = arith.select %lt3A_407, %min3A_397, %min3A_409 : vector<256x128xi1>, vector<256x128xf32>
    %jit3A_411 = arith.constant 21 : i32
    %broadcast_in_dim3A_412 = vector.broadcast %jit3A_411 : i32 to vector<256x128xi32>
    %select_n3A_413 = arith.select %lt3A_408, %broadcast_in_dim3A_412, %select_n3A_396 : vector<256x128xi1>, vector<256x128xi32>
    %select_n3A_414 = arith.select %lt3A_407, %select_n3A_400, %select_n3A_413 : vector<256x128xi1>, vector<256x128xi32>
    %min3A_415 = arith.minimumf %min3A_397, %slice3A_401 : vector<256x128xf32>
    %jit3A_416 = arith.constant 21 : i32
    %broadcast_in_dim3A_417 = vector.broadcast %jit3A_416 : i32 to vector<256x128xi32>
    %select_n3A_418 = arith.select %lt3A_407, %broadcast_in_dim3A_417, %select_n3A_400 : vector<256x128xi1>, vector<256x128xi32>
    %slice3A_419 = vector.extract_strided_slice %sub3A {offsets = [0, 2816], sizes = [256, 128], strides = [1, 1]} : vector<256x4096xf32> to vector<256x128xf32>
    %lt3A_420 = arith.constant 2.600000e-03 : f32
    %lt3A_421 = vector.broadcast %lt3A_420 : f32 to vector<256x128xf32>
    %lt3A_422 = arith.cmpf olt, %slice3A_419, %lt3A_421 : vector<256x128xf32>
    %convert_element_type3A_423 = arith.extui %lt3A_422 : vector<256x128xi1> to vector<256x128xi32>
    %add3A_424 = arith.addi %add3A_406, %convert_element_type3A_423 : vector<256x128xi32>
    %lt3A_425 = arith.cmpf olt, %slice3A_419, %min3A_415 : vector<256x128xf32>
    %lt3A_426 = arith.cmpf olt, %slice3A_419, %select_n3A_410 : vector<256x128xf32>
    %min3A_427 = arith.minimumf %select_n3A_410, %slice3A_419 : vector<256x128xf32>
    %select_n3A_428 = arith.select %lt3A_425, %min3A_415, %min3A_427 : vector<256x128xi1>, vector<256x128xf32>
    %jit3A_429 = arith.constant 22 : i32
    %broadcast_in_dim3A_430 = vector.broadcast %jit3A_429 : i32 to vector<256x128xi32>
    %select_n3A_431 = arith.select %lt3A_426, %broadcast_in_dim3A_430, %select_n3A_414 : vector<256x128xi1>, vector<256x128xi32>
    %select_n3A_432 = arith.select %lt3A_425, %select_n3A_418, %select_n3A_431 : vector<256x128xi1>, vector<256x128xi32>
    %min3A_433 = arith.minimumf %min3A_415, %slice3A_419 : vector<256x128xf32>
    %jit3A_434 = arith.constant 22 : i32
    %broadcast_in_dim3A_435 = vector.broadcast %jit3A_434 : i32 to vector<256x128xi32>
    %select_n3A_436 = arith.select %lt3A_425, %broadcast_in_dim3A_435, %select_n3A_418 : vector<256x128xi1>, vector<256x128xi32>
    %slice3A_437 = vector.extract_strided_slice %sub3A {offsets = [0, 2944], sizes = [256, 128], strides = [1, 1]} : vector<256x4096xf32> to vector<256x128xf32>
    %lt3A_438 = arith.constant 2.600000e-03 : f32
    %lt3A_439 = vector.broadcast %lt3A_438 : f32 to vector<256x128xf32>
    %lt3A_440 = arith.cmpf olt, %slice3A_437, %lt3A_439 : vector<256x128xf32>
    %convert_element_type3A_441 = arith.extui %lt3A_440 : vector<256x128xi1> to vector<256x128xi32>
    %add3A_442 = arith.addi %add3A_424, %convert_element_type3A_441 : vector<256x128xi32>
    %lt3A_443 = arith.cmpf olt, %slice3A_437, %min3A_433 : vector<256x128xf32>
    %lt3A_444 = arith.cmpf olt, %slice3A_437, %select_n3A_428 : vector<256x128xf32>
    %min3A_445 = arith.minimumf %select_n3A_428, %slice3A_437 : vector<256x128xf32>
    %select_n3A_446 = arith.select %lt3A_443, %min3A_433, %min3A_445 : vector<256x128xi1>, vector<256x128xf32>
    %jit3A_447 = arith.constant 23 : i32
    %broadcast_in_dim3A_448 = vector.broadcast %jit3A_447 : i32 to vector<256x128xi32>
    %select_n3A_449 = arith.select %lt3A_444, %broadcast_in_dim3A_448, %select_n3A_432 : vector<256x128xi1>, vector<256x128xi32>
    %select_n3A_450 = arith.select %lt3A_443, %select_n3A_436, %select_n3A_449 : vector<256x128xi1>, vector<256x128xi32>
    %min3A_451 = arith.minimumf %min3A_433, %slice3A_437 : vector<256x128xf32>
    %jit3A_452 = arith.constant 23 : i32
    %broadcast_in_dim3A_453 = vector.broadcast %jit3A_452 : i32 to vector<256x128xi32>
    %select_n3A_454 = arith.select %lt3A_443, %broadcast_in_dim3A_453, %select_n3A_436 : vector<256x128xi1>, vector<256x128xi32>
    %slice3A_455 = vector.extract_strided_slice %sub3A {offsets = [0, 3072], sizes = [256, 128], strides = [1, 1]} : vector<256x4096xf32> to vector<256x128xf32>
    %lt3A_456 = arith.constant 2.600000e-03 : f32
    %lt3A_457 = vector.broadcast %lt3A_456 : f32 to vector<256x128xf32>
    %lt3A_458 = arith.cmpf olt, %slice3A_455, %lt3A_457 : vector<256x128xf32>
    %convert_element_type3A_459 = arith.extui %lt3A_458 : vector<256x128xi1> to vector<256x128xi32>
    %add3A_460 = arith.addi %add3A_442, %convert_element_type3A_459 : vector<256x128xi32>
    %lt3A_461 = arith.cmpf olt, %slice3A_455, %min3A_451 : vector<256x128xf32>
    %lt3A_462 = arith.cmpf olt, %slice3A_455, %select_n3A_446 : vector<256x128xf32>
    %min3A_463 = arith.minimumf %select_n3A_446, %slice3A_455 : vector<256x128xf32>
    %select_n3A_464 = arith.select %lt3A_461, %min3A_451, %min3A_463 : vector<256x128xi1>, vector<256x128xf32>
    %jit3A_465 = arith.constant 24 : i32
    %broadcast_in_dim3A_466 = vector.broadcast %jit3A_465 : i32 to vector<256x128xi32>
    %select_n3A_467 = arith.select %lt3A_462, %broadcast_in_dim3A_466, %select_n3A_450 : vector<256x128xi1>, vector<256x128xi32>
    %select_n3A_468 = arith.select %lt3A_461, %select_n3A_454, %select_n3A_467 : vector<256x128xi1>, vector<256x128xi32>
    %min3A_469 = arith.minimumf %min3A_451, %slice3A_455 : vector<256x128xf32>
    %jit3A_470 = arith.constant 24 : i32
    %broadcast_in_dim3A_471 = vector.broadcast %jit3A_470 : i32 to vector<256x128xi32>
    %select_n3A_472 = arith.select %lt3A_461, %broadcast_in_dim3A_471, %select_n3A_454 : vector<256x128xi1>, vector<256x128xi32>
    %slice3A_473 = vector.extract_strided_slice %sub3A {offsets = [0, 3200], sizes = [256, 128], strides = [1, 1]} : vector<256x4096xf32> to vector<256x128xf32>
    %lt3A_474 = arith.constant 2.600000e-03 : f32
    %lt3A_475 = vector.broadcast %lt3A_474 : f32 to vector<256x128xf32>
    %lt3A_476 = arith.cmpf olt, %slice3A_473, %lt3A_475 : vector<256x128xf32>
    %convert_element_type3A_477 = arith.extui %lt3A_476 : vector<256x128xi1> to vector<256x128xi32>
    %add3A_478 = arith.addi %add3A_460, %convert_element_type3A_477 : vector<256x128xi32>
    %lt3A_479 = arith.cmpf olt, %slice3A_473, %min3A_469 : vector<256x128xf32>
    %lt3A_480 = arith.cmpf olt, %slice3A_473, %select_n3A_464 : vector<256x128xf32>
    %min3A_481 = arith.minimumf %select_n3A_464, %slice3A_473 : vector<256x128xf32>
    %select_n3A_482 = arith.select %lt3A_479, %min3A_469, %min3A_481 : vector<256x128xi1>, vector<256x128xf32>
    %jit3A_483 = arith.constant 25 : i32
    %broadcast_in_dim3A_484 = vector.broadcast %jit3A_483 : i32 to vector<256x128xi32>
    %select_n3A_485 = arith.select %lt3A_480, %broadcast_in_dim3A_484, %select_n3A_468 : vector<256x128xi1>, vector<256x128xi32>
    %select_n3A_486 = arith.select %lt3A_479, %select_n3A_472, %select_n3A_485 : vector<256x128xi1>, vector<256x128xi32>
    %min3A_487 = arith.minimumf %min3A_469, %slice3A_473 : vector<256x128xf32>
    %jit3A_488 = arith.constant 25 : i32
    %broadcast_in_dim3A_489 = vector.broadcast %jit3A_488 : i32 to vector<256x128xi32>
    %select_n3A_490 = arith.select %lt3A_479, %broadcast_in_dim3A_489, %select_n3A_472 : vector<256x128xi1>, vector<256x128xi32>
    %slice3A_491 = vector.extract_strided_slice %sub3A {offsets = [0, 3328], sizes = [256, 128], strides = [1, 1]} : vector<256x4096xf32> to vector<256x128xf32>
    %lt3A_492 = arith.constant 2.600000e-03 : f32
    %lt3A_493 = vector.broadcast %lt3A_492 : f32 to vector<256x128xf32>
    %lt3A_494 = arith.cmpf olt, %slice3A_491, %lt3A_493 : vector<256x128xf32>
    %convert_element_type3A_495 = arith.extui %lt3A_494 : vector<256x128xi1> to vector<256x128xi32>
    %add3A_496 = arith.addi %add3A_478, %convert_element_type3A_495 : vector<256x128xi32>
    %lt3A_497 = arith.cmpf olt, %slice3A_491, %min3A_487 : vector<256x128xf32>
    %lt3A_498 = arith.cmpf olt, %slice3A_491, %select_n3A_482 : vector<256x128xf32>
    %min3A_499 = arith.minimumf %select_n3A_482, %slice3A_491 : vector<256x128xf32>
    %select_n3A_500 = arith.select %lt3A_497, %min3A_487, %min3A_499 : vector<256x128xi1>, vector<256x128xf32>
    %jit3A_501 = arith.constant 26 : i32
    %broadcast_in_dim3A_502 = vector.broadcast %jit3A_501 : i32 to vector<256x128xi32>
    %select_n3A_503 = arith.select %lt3A_498, %broadcast_in_dim3A_502, %select_n3A_486 : vector<256x128xi1>, vector<256x128xi32>
    %select_n3A_504 = arith.select %lt3A_497, %select_n3A_490, %select_n3A_503 : vector<256x128xi1>, vector<256x128xi32>
    %min3A_505 = arith.minimumf %min3A_487, %slice3A_491 : vector<256x128xf32>
    %jit3A_506 = arith.constant 26 : i32
    %broadcast_in_dim3A_507 = vector.broadcast %jit3A_506 : i32 to vector<256x128xi32>
    %select_n3A_508 = arith.select %lt3A_497, %broadcast_in_dim3A_507, %select_n3A_490 : vector<256x128xi1>, vector<256x128xi32>
    %slice3A_509 = vector.extract_strided_slice %sub3A {offsets = [0, 3456], sizes = [256, 128], strides = [1, 1]} : vector<256x4096xf32> to vector<256x128xf32>
    %lt3A_510 = arith.constant 2.600000e-03 : f32
    %lt3A_511 = vector.broadcast %lt3A_510 : f32 to vector<256x128xf32>
    %lt3A_512 = arith.cmpf olt, %slice3A_509, %lt3A_511 : vector<256x128xf32>
    %convert_element_type3A_513 = arith.extui %lt3A_512 : vector<256x128xi1> to vector<256x128xi32>
    %add3A_514 = arith.addi %add3A_496, %convert_element_type3A_513 : vector<256x128xi32>
    %lt3A_515 = arith.cmpf olt, %slice3A_509, %min3A_505 : vector<256x128xf32>
    %lt3A_516 = arith.cmpf olt, %slice3A_509, %select_n3A_500 : vector<256x128xf32>
    %min3A_517 = arith.minimumf %select_n3A_500, %slice3A_509 : vector<256x128xf32>
    %select_n3A_518 = arith.select %lt3A_515, %min3A_505, %min3A_517 : vector<256x128xi1>, vector<256x128xf32>
    %jit3A_519 = arith.constant 27 : i32
    %broadcast_in_dim3A_520 = vector.broadcast %jit3A_519 : i32 to vector<256x128xi32>
    %select_n3A_521 = arith.select %lt3A_516, %broadcast_in_dim3A_520, %select_n3A_504 : vector<256x128xi1>, vector<256x128xi32>
    %select_n3A_522 = arith.select %lt3A_515, %select_n3A_508, %select_n3A_521 : vector<256x128xi1>, vector<256x128xi32>
    %min3A_523 = arith.minimumf %min3A_505, %slice3A_509 : vector<256x128xf32>
    %jit3A_524 = arith.constant 27 : i32
    %broadcast_in_dim3A_525 = vector.broadcast %jit3A_524 : i32 to vector<256x128xi32>
    %select_n3A_526 = arith.select %lt3A_515, %broadcast_in_dim3A_525, %select_n3A_508 : vector<256x128xi1>, vector<256x128xi32>
    %slice3A_527 = vector.extract_strided_slice %sub3A {offsets = [0, 3584], sizes = [256, 128], strides = [1, 1]} : vector<256x4096xf32> to vector<256x128xf32>
    %lt3A_528 = arith.constant 2.600000e-03 : f32
    %lt3A_529 = vector.broadcast %lt3A_528 : f32 to vector<256x128xf32>
    %lt3A_530 = arith.cmpf olt, %slice3A_527, %lt3A_529 : vector<256x128xf32>
    %convert_element_type3A_531 = arith.extui %lt3A_530 : vector<256x128xi1> to vector<256x128xi32>
    %add3A_532 = arith.addi %add3A_514, %convert_element_type3A_531 : vector<256x128xi32>
    %lt3A_533 = arith.cmpf olt, %slice3A_527, %min3A_523 : vector<256x128xf32>
    %lt3A_534 = arith.cmpf olt, %slice3A_527, %select_n3A_518 : vector<256x128xf32>
    %min3A_535 = arith.minimumf %select_n3A_518, %slice3A_527 : vector<256x128xf32>
    %select_n3A_536 = arith.select %lt3A_533, %min3A_523, %min3A_535 : vector<256x128xi1>, vector<256x128xf32>
    %jit3A_537 = arith.constant 28 : i32
    %broadcast_in_dim3A_538 = vector.broadcast %jit3A_537 : i32 to vector<256x128xi32>
    %select_n3A_539 = arith.select %lt3A_534, %broadcast_in_dim3A_538, %select_n3A_522 : vector<256x128xi1>, vector<256x128xi32>
    %select_n3A_540 = arith.select %lt3A_533, %select_n3A_526, %select_n3A_539 : vector<256x128xi1>, vector<256x128xi32>
    %min3A_541 = arith.minimumf %min3A_523, %slice3A_527 : vector<256x128xf32>
    %jit3A_542 = arith.constant 28 : i32
    %broadcast_in_dim3A_543 = vector.broadcast %jit3A_542 : i32 to vector<256x128xi32>
    %select_n3A_544 = arith.select %lt3A_533, %broadcast_in_dim3A_543, %select_n3A_526 : vector<256x128xi1>, vector<256x128xi32>
    %slice3A_545 = vector.extract_strided_slice %sub3A {offsets = [0, 3712], sizes = [256, 128], strides = [1, 1]} : vector<256x4096xf32> to vector<256x128xf32>
    %lt3A_546 = arith.constant 2.600000e-03 : f32
    %lt3A_547 = vector.broadcast %lt3A_546 : f32 to vector<256x128xf32>
    %lt3A_548 = arith.cmpf olt, %slice3A_545, %lt3A_547 : vector<256x128xf32>
    %convert_element_type3A_549 = arith.extui %lt3A_548 : vector<256x128xi1> to vector<256x128xi32>
    %add3A_550 = arith.addi %add3A_532, %convert_element_type3A_549 : vector<256x128xi32>
    %lt3A_551 = arith.cmpf olt, %slice3A_545, %min3A_541 : vector<256x128xf32>
    %lt3A_552 = arith.cmpf olt, %slice3A_545, %select_n3A_536 : vector<256x128xf32>
    %min3A_553 = arith.minimumf %select_n3A_536, %slice3A_545 : vector<256x128xf32>
    %select_n3A_554 = arith.select %lt3A_551, %min3A_541, %min3A_553 : vector<256x128xi1>, vector<256x128xf32>
    %jit3A_555 = arith.constant 29 : i32
    %broadcast_in_dim3A_556 = vector.broadcast %jit3A_555 : i32 to vector<256x128xi32>
    %select_n3A_557 = arith.select %lt3A_552, %broadcast_in_dim3A_556, %select_n3A_540 : vector<256x128xi1>, vector<256x128xi32>
    %select_n3A_558 = arith.select %lt3A_551, %select_n3A_544, %select_n3A_557 : vector<256x128xi1>, vector<256x128xi32>
    %min3A_559 = arith.minimumf %min3A_541, %slice3A_545 : vector<256x128xf32>
    %jit3A_560 = arith.constant 29 : i32
    %broadcast_in_dim3A_561 = vector.broadcast %jit3A_560 : i32 to vector<256x128xi32>
    %select_n3A_562 = arith.select %lt3A_551, %broadcast_in_dim3A_561, %select_n3A_544 : vector<256x128xi1>, vector<256x128xi32>
    %slice3A_563 = vector.extract_strided_slice %sub3A {offsets = [0, 3840], sizes = [256, 128], strides = [1, 1]} : vector<256x4096xf32> to vector<256x128xf32>
    %lt3A_564 = arith.constant 2.600000e-03 : f32
    %lt3A_565 = vector.broadcast %lt3A_564 : f32 to vector<256x128xf32>
    %lt3A_566 = arith.cmpf olt, %slice3A_563, %lt3A_565 : vector<256x128xf32>
    %convert_element_type3A_567 = arith.extui %lt3A_566 : vector<256x128xi1> to vector<256x128xi32>
    %add3A_568 = arith.addi %add3A_550, %convert_element_type3A_567 : vector<256x128xi32>
    %lt3A_569 = arith.cmpf olt, %slice3A_563, %min3A_559 : vector<256x128xf32>
    %lt3A_570 = arith.cmpf olt, %slice3A_563, %select_n3A_554 : vector<256x128xf32>
    %min3A_571 = arith.minimumf %select_n3A_554, %slice3A_563 : vector<256x128xf32>
    %select_n3A_572 = arith.select %lt3A_569, %min3A_559, %min3A_571 : vector<256x128xi1>, vector<256x128xf32>
    %jit3A_573 = arith.constant 30 : i32
    %broadcast_in_dim3A_574 = vector.broadcast %jit3A_573 : i32 to vector<256x128xi32>
    %select_n3A_575 = arith.select %lt3A_570, %broadcast_in_dim3A_574, %select_n3A_558 : vector<256x128xi1>, vector<256x128xi32>
    %select_n3A_576 = arith.select %lt3A_569, %select_n3A_562, %select_n3A_575 : vector<256x128xi1>, vector<256x128xi32>
    %min3A_577 = arith.minimumf %min3A_559, %slice3A_563 : vector<256x128xf32>
    %jit3A_578 = arith.constant 30 : i32
    %broadcast_in_dim3A_579 = vector.broadcast %jit3A_578 : i32 to vector<256x128xi32>
    %select_n3A_580 = arith.select %lt3A_569, %broadcast_in_dim3A_579, %select_n3A_562 : vector<256x128xi1>, vector<256x128xi32>
    %slice3A_581 = vector.extract_strided_slice %sub3A {offsets = [0, 3968], sizes = [256, 128], strides = [1, 1]} : vector<256x4096xf32> to vector<256x128xf32>
    %lt3A_582 = arith.constant 2.600000e-03 : f32
    %lt3A_583 = vector.broadcast %lt3A_582 : f32 to vector<256x128xf32>
    %lt3A_584 = arith.cmpf olt, %slice3A_581, %lt3A_583 : vector<256x128xf32>
    %convert_element_type3A_585 = arith.extui %lt3A_584 : vector<256x128xi1> to vector<256x128xi32>
    %add3A_586 = arith.addi %add3A_568, %convert_element_type3A_585 : vector<256x128xi32>
    %lt3A_587 = arith.cmpf olt, %slice3A_581, %min3A_577 : vector<256x128xf32>
    %lt3A_588 = arith.cmpf olt, %slice3A_581, %select_n3A_572 : vector<256x128xf32>
    %min3A_589 = arith.minimumf %select_n3A_572, %slice3A_581 : vector<256x128xf32>
    %select_n3A_590 = arith.select %lt3A_587, %min3A_577, %min3A_589 : vector<256x128xi1>, vector<256x128xf32>
    %jit3A_591 = arith.constant 31 : i32
    %broadcast_in_dim3A_592 = vector.broadcast %jit3A_591 : i32 to vector<256x128xi32>
    %select_n3A_593 = arith.select %lt3A_588, %broadcast_in_dim3A_592, %select_n3A_576 : vector<256x128xi1>, vector<256x128xi32>
    %select_n3A_594 = arith.select %lt3A_587, %select_n3A_580, %select_n3A_593 : vector<256x128xi1>, vector<256x128xi32>
    %min3A_595 = arith.minimumf %min3A_577, %slice3A_581 : vector<256x128xf32>
    %jit3A_596 = arith.constant 31 : i32
    %broadcast_in_dim3A_597 = vector.broadcast %jit3A_596 : i32 to vector<256x128xi32>
    %select_n3A_598 = arith.select %lt3A_587, %broadcast_in_dim3A_597, %select_n3A_580 : vector<256x128xi1>, vector<256x128xi32>
    %iota3A = tpu.iota {dimensions = array<i32: 1>} : vector<256x128xi32>
    %mul3A_599 = arith.constant 4096 : i32
    %mul3A_600 = arith.muli %arg1, %mul3A_599 : i32
    %mul3A_601 = arith.constant 128 : i32
    %mul3A_602 = vector.broadcast %mul3A_601 : i32 to vector<256x128xi32>
    %mul3A_603 = arith.muli %select_n3A_598, %mul3A_602 : vector<256x128xi32>
    %add3A_604 = vector.broadcast %mul3A_600 : i32 to vector<256x128xi32>
    %add3A_605 = arith.addi %add3A_604, %mul3A_603 : vector<256x128xi32>
    %add3A_606 = arith.addi %add3A_605, %iota3A : vector<256x128xi32>
    %mul3A_607 = arith.constant 4096 : i32
    %mul3A_608 = arith.muli %arg1, %mul3A_607 : i32
    %mul3A_609 = arith.constant 128 : i32
    %mul3A_610 = vector.broadcast %mul3A_609 : i32 to vector<256x128xi32>
    %mul3A_611 = arith.muli %select_n3A_594, %mul3A_610 : vector<256x128xi32>
    %add3A_612 = vector.broadcast %mul3A_608 : i32 to vector<256x128xi32>
    %add3A_613 = arith.addi %add3A_612, %mul3A_611 : vector<256x128xi32>
    %add3A_614 = arith.addi %add3A_613, %iota3A : vector<256x128xi32>
    %reduce_max3A = vector.shape_cast %add3A_586 : vector<256x128xi32> to vector<1x256x128xi32>
    %reduce_max3A_615 = arith.constant dense<-2147483648> : vector<1xi32>
    %reduce_max3A_616 = vector.multi_reduction <maxsi>, %reduce_max3A, %reduce_max3A_615 [1, 2] : vector<1x256x128xi32> to vector<1xi32>
    %reduce_max3A_617 = vector.shape_cast %reduce_max3A_616 : vector<1xi32> to vector<1x1x1xi32>
    %reduce_max3A_618 = vector.extract %reduce_max3A_617[0, 0, 0] : i32 from vector<1x1x1xi32>
    %ge3A = arith.constant 3 : i32
    %ge3A_619 = arith.cmpi sge, %reduce_max3A_618, %ge3A : i32
    %mul3A_620 = arith.constant 256 : i32
    %mul3A_621 = arith.muli %arg1, %mul3A_620 : i32
    %not3A = arith.constant true
    %not3A_622 = arith.xori %ge3A_619, %not3A : i1
    %convert_element_type3A_623 = arith.extui %not3A_622 : i1 to i32
    %cond3A_624 = arith.constant 0 : i32
    %cond3A_625 = arith.cmpi ne, %convert_element_type3A_623, %cond3A_624 : i32
    scf.if %cond3A_625 {
      %swap3A = arith.constant 0 : index
      %swap3A_634 = arith.index_cast %mul3A_621 : i32 to index
      %swap3A_635 = vector.load %arg6[%swap3A, %swap3A_634] : memref<256x4096xf32, #tpu.memory_space<vmem>>, vector<256x128xf32>
      tpu.vector_store %arg6[%swap3A, %swap3A_634], %min3A_595 {strides = array<i32>} : memref<256x4096xf32, #tpu.memory_space<vmem>>, vector<256x128xf32>,
      %add3A_636 = arith.constant 128 : i32
      %add3A_637 = arith.addi %mul3A_621, %add3A_636 : i32
      %swap3A_638 = arith.constant 0 : index
      %swap3A_639 = arith.index_cast %add3A_637 : i32 to index
      %swap3A_640 = vector.load %arg6[%swap3A_638, %swap3A_639] : memref<256x4096xf32, #tpu.memory_space<vmem>>, vector<256x128xf32>
      tpu.vector_store %arg6[%swap3A_638, %swap3A_639], %select_n3A_590 {strides = array<i32>} : memref<256x4096xf32, #tpu.memory_space<vmem>>, vector<256x128xf32>,
      %swap3A_641 = arith.constant 0 : index
      %swap3A_642 = arith.index_cast %mul3A_621 : i32 to index
      %swap3A_643 = vector.load %arg7[%swap3A_641, %swap3A_642] : memref<256x4096xi32, #tpu.memory_space<vmem>>, vector<256x128xi32>
      tpu.vector_store %arg7[%swap3A_641, %swap3A_642], %add3A_606 {strides = array<i32>} : memref<256x4096xi32, #tpu.memory_space<vmem>>, vector<256x128xi32>,
      %add3A_644 = arith.constant 128 : i32
      %add3A_645 = arith.addi %mul3A_621, %add3A_644 : i32
      %swap3A_646 = arith.constant 0 : index
      %swap3A_647 = arith.index_cast %add3A_645 : i32 to index
      %swap3A_648 = vector.load %arg7[%swap3A_646, %swap3A_647] : memref<256x4096xi32, #tpu.memory_space<vmem>>, vector<256x128xi32>
      tpu.vector_store %arg7[%swap3A_646, %swap3A_647], %add3A_614 {strides = array<i32>} : memref<256x4096xi32, #tpu.memory_space<vmem>>, vector<256x128xi32>,
    } else {
    }
    %convert_element_type3A_626 = arith.extui %ge3A_619 : i1 to i32
    %cond3A_627 = arith.constant 0 : i32
    %cond3A_628 = arith.cmpi ne, %convert_element_type3A_626, %cond3A_627 : i32
    scf.if %cond3A_628 {
      %iota3A_634 = tpu.iota {dimensions = array<i32: 1>} : vector<256x4096xi32>
      %reduce_min3A = arith.constant dense<0x7F800000> : vector<256xf32>
      %reduce_min3A_635 = vector.multi_reduction <minimumf>, %sub3A, %reduce_min3A [1] : vector<256x4096xf32> to vector<256xf32>
      %broadcast_in_dim3A_636 = vector.shape_cast %reduce_min3A_635 : vector<256xf32> to vector<256x1xf32>
      %eq3A_637 = vector.broadcast %broadcast_in_dim3A_636 : vector<256x1xf32> to vector<256x4096xf32>
      %eq3A_638 = arith.cmpf oeq, %sub3A, %eq3A_637 : vector<256x4096xf32>
      %jit3A_639 = arith.constant 4096 : i32
      %broadcast_in_dim3A_640 = vector.broadcast %jit3A_639 : i32 to vector<256x4096xi32>
      %select_n3A_641 = arith.select %eq3A_638, %iota3A_634, %broadcast_in_dim3A_640 : vector<256x4096xi1>, vector<256x4096xi32>
      %reduce_min3A_642 = arith.constant dense<2147483647> : vector<256xi32>
      %reduce_min3A_643 = vector.multi_reduction <minsi>, %select_n3A_641, %reduce_min3A_642 [1] : vector<256x4096xi32> to vector<256xi32>
      %broadcast_in_dim3A_644 = vector.shape_cast %reduce_min3A_643 : vector<256xi32> to vector<256x1xi32>
      %eq3A_645 = vector.broadcast %broadcast_in_dim3A_644 : vector<256x1xi32> to vector<256x4096xi32>
      %eq3A_646 = arith.cmpi eq, %iota3A_634, %eq3A_645 : vector<256x4096xi32>
      %mul3A_647 = arith.constant 4096 : i32
      %mul3A_648 = arith.muli %arg1, %mul3A_647 : i32
      %add3A_649 = vector.broadcast %mul3A_648 : i32 to vector<256x1xi32>
      %add3A_650 = arith.addi %broadcast_in_dim3A_644, %add3A_649 : vector<256x1xi32>
      %jit3A_651 = arith.constant 1.000000e+09 : f32
      %broadcast_in_dim3A_652 = vector.broadcast %jit3A_651 : f32 to vector<256x4096xf32>
      %select_n3A_653 = arith.select %eq3A_646, %broadcast_in_dim3A_652, %sub3A : vector<256x4096xi1>, vector<256x4096xf32>
      %reduce_min3A_654 = arith.constant dense<0x7F800000> : vector<256xf32>
      %reduce_min3A_655 = vector.multi_reduction <minimumf>, %select_n3A_653, %reduce_min3A_654 [1] : vector<256x4096xf32> to vector<256xf32>
      %broadcast_in_dim3A_656 = vector.shape_cast %reduce_min3A_655 : vector<256xf32> to vector<256x1xf32>
      %eq3A_657 = vector.broadcast %broadcast_in_dim3A_656 : vector<256x1xf32> to vector<256x4096xf32>
      %eq3A_658 = arith.cmpf oeq, %select_n3A_653, %eq3A_657 : vector<256x4096xf32>
      %jit3A_659 = arith.constant 4096 : i32
      %broadcast_in_dim3A_660 = vector.broadcast %jit3A_659 : i32 to vector<256x4096xi32>
      %select_n3A_661 = arith.select %eq3A_658, %iota3A_634, %broadcast_in_dim3A_660 : vector<256x4096xi1>, vector<256x4096xi32>
      %reduce_min3A_662 = arith.constant dense<2147483647> : vector<256xi32>
      %reduce_min3A_663 = vector.multi_reduction <minsi>, %select_n3A_661, %reduce_min3A_662 [1] : vector<256x4096xi32> to vector<256xi32>
      %broadcast_in_dim3A_664 = vector.shape_cast %reduce_min3A_663 : vector<256xi32> to vector<256x1xi32>
      %eq3A_665 = vector.broadcast %broadcast_in_dim3A_664 : vector<256x1xi32> to vector<256x4096xi32>
      %eq3A_666 = arith.cmpi eq, %iota3A_634, %eq3A_665 : vector<256x4096xi32>
      %mul3A_667 = arith.constant 4096 : i32
      %mul3A_668 = arith.muli %arg1, %mul3A_667 : i32
      %add3A_669 = vector.broadcast %mul3A_668 : i32 to vector<256x1xi32>
      %add3A_670 = arith.addi %broadcast_in_dim3A_664, %add3A_669 : vector<256x1xi32>
      %jit3A_671 = arith.constant 1.000000e+09 : f32
      %broadcast_in_dim3A_672 = vector.broadcast %jit3A_671 : f32 to vector<256x4096xf32>
      %select_n3A_673 = arith.select %eq3A_666, %broadcast_in_dim3A_672, %select_n3A_653 : vector<256x4096xi1>, vector<256x4096xf32>
      %reduce_min3A_674 = arith.constant dense<0x7F800000> : vector<256xf32>
      %reduce_min3A_675 = vector.multi_reduction <minimumf>, %select_n3A_673, %reduce_min3A_674 [1] : vector<256x4096xf32> to vector<256xf32>
      %broadcast_in_dim3A_676 = vector.shape_cast %reduce_min3A_675 : vector<256xf32> to vector<256x1xf32>
      %eq3A_677 = vector.broadcast %broadcast_in_dim3A_676 : vector<256x1xf32> to vector<256x4096xf32>
      %eq3A_678 = arith.cmpf oeq, %select_n3A_673, %eq3A_677 : vector<256x4096xf32>
      %jit3A_679 = arith.constant 4096 : i32
      %broadcast_in_dim3A_680 = vector.broadcast %jit3A_679 : i32 to vector<256x4096xi32>
      %select_n3A_681 = arith.select %eq3A_678, %iota3A_634, %broadcast_in_dim3A_680 : vector<256x4096xi1>, vector<256x4096xi32>
      %reduce_min3A_682 = arith.constant dense<2147483647> : vector<256xi32>
      %reduce_min3A_683 = vector.multi_reduction <minsi>, %select_n3A_681, %reduce_min3A_682 [1] : vector<256x4096xi32> to vector<256xi32>
      %broadcast_in_dim3A_684 = vector.shape_cast %reduce_min3A_683 : vector<256xi32> to vector<256x1xi32>
      %eq3A_685 = vector.broadcast %broadcast_in_dim3A_684 : vector<256x1xi32> to vector<256x4096xi32>
      %eq3A_686 = arith.cmpi eq, %iota3A_634, %eq3A_685 : vector<256x4096xi32>
      %mul3A_687 = arith.constant 4096 : i32
      %mul3A_688 = arith.muli %arg1, %mul3A_687 : i32
      %add3A_689 = vector.broadcast %mul3A_688 : i32 to vector<256x1xi32>
      %add3A_690 = arith.addi %broadcast_in_dim3A_684, %add3A_689 : vector<256x1xi32>
      %jit3A_691 = arith.constant 1.000000e+09 : f32
      %broadcast_in_dim3A_692 = vector.broadcast %jit3A_691 : f32 to vector<256x4096xf32>
      %select_n3A_693 = arith.select %eq3A_686, %broadcast_in_dim3A_692, %select_n3A_673 : vector<256x4096xi1>, vector<256x4096xf32>
      %reduce_min3A_694 = arith.constant dense<0x7F800000> : vector<256xf32>
      %reduce_min3A_695 = vector.multi_reduction <minimumf>, %select_n3A_693, %reduce_min3A_694 [1] : vector<256x4096xf32> to vector<256xf32>
      %broadcast_in_dim3A_696 = vector.shape_cast %reduce_min3A_695 : vector<256xf32> to vector<256x1xf32>
      %eq3A_697 = vector.broadcast %broadcast_in_dim3A_696 : vector<256x1xf32> to vector<256x4096xf32>
      %eq3A_698 = arith.cmpf oeq, %select_n3A_693, %eq3A_697 : vector<256x4096xf32>
      %jit3A_699 = arith.constant 4096 : i32
      %broadcast_in_dim3A_700 = vector.broadcast %jit3A_699 : i32 to vector<256x4096xi32>
      %select_n3A_701 = arith.select %eq3A_698, %iota3A_634, %broadcast_in_dim3A_700 : vector<256x4096xi1>, vector<256x4096xi32>
      %reduce_min3A_702 = arith.constant dense<2147483647> : vector<256xi32>
      %reduce_min3A_703 = vector.multi_reduction <minsi>, %select_n3A_701, %reduce_min3A_702 [1] : vector<256x4096xi32> to vector<256xi32>
      %broadcast_in_dim3A_704 = vector.shape_cast %reduce_min3A_703 : vector<256xi32> to vector<256x1xi32>
      %eq3A_705 = vector.broadcast %broadcast_in_dim3A_704 : vector<256x1xi32> to vector<256x4096xi32>
      %eq3A_706 = arith.cmpi eq, %iota3A_634, %eq3A_705 : vector<256x4096xi32>
      %mul3A_707 = arith.constant 4096 : i32
      %mul3A_708 = arith.muli %arg1, %mul3A_707 : i32
      %add3A_709 = vector.broadcast %mul3A_708 : i32 to vector<256x1xi32>
      %add3A_710 = arith.addi %broadcast_in_dim3A_704, %add3A_709 : vector<256x1xi32>
      %jit3A_711 = arith.constant 1.000000e+09 : f32
      %broadcast_in_dim3A_712 = vector.broadcast %jit3A_711 : f32 to vector<256x4096xf32>
      %select_n3A_713 = arith.select %eq3A_706, %broadcast_in_dim3A_712, %select_n3A_693 : vector<256x4096xi1>, vector<256x4096xf32>
      %reduce_min3A_714 = arith.constant dense<0x7F800000> : vector<256xf32>
      %reduce_min3A_715 = vector.multi_reduction <minimumf>, %select_n3A_713, %reduce_min3A_714 [1] : vector<256x4096xf32> to vector<256xf32>
      %broadcast_in_dim3A_716 = vector.shape_cast %reduce_min3A_715 : vector<256xf32> to vector<256x1xf32>
      %eq3A_717 = vector.broadcast %broadcast_in_dim3A_716 : vector<256x1xf32> to vector<256x4096xf32>
      %eq3A_718 = arith.cmpf oeq, %select_n3A_713, %eq3A_717 : vector<256x4096xf32>
      %jit3A_719 = arith.constant 4096 : i32
      %broadcast_in_dim3A_720 = vector.broadcast %jit3A_719 : i32 to vector<256x4096xi32>
      %select_n3A_721 = arith.select %eq3A_718, %iota3A_634, %broadcast_in_dim3A_720 : vector<256x4096xi1>, vector<256x4096xi32>
      %reduce_min3A_722 = arith.constant dense<2147483647> : vector<256xi32>
      %reduce_min3A_723 = vector.multi_reduction <minsi>, %select_n3A_721, %reduce_min3A_722 [1] : vector<256x4096xi32> to vector<256xi32>
      %broadcast_in_dim3A_724 = vector.shape_cast %reduce_min3A_723 : vector<256xi32> to vector<256x1xi32>
      %eq3A_725 = vector.broadcast %broadcast_in_dim3A_724 : vector<256x1xi32> to vector<256x4096xi32>
      %eq3A_726 = arith.cmpi eq, %iota3A_634, %eq3A_725 : vector<256x4096xi32>
      %mul3A_727 = arith.constant 4096 : i32
      %mul3A_728 = arith.muli %arg1, %mul3A_727 : i32
      %add3A_729 = vector.broadcast %mul3A_728 : i32 to vector<256x1xi32>
      %add3A_730 = arith.addi %broadcast_in_dim3A_724, %add3A_729 : vector<256x1xi32>
      %jit3A_731 = arith.constant 1.000000e+09 : f32
      %broadcast_in_dim3A_732 = vector.broadcast %jit3A_731 : f32 to vector<256x4096xf32>
      %select_n3A_733 = arith.select %eq3A_726, %broadcast_in_dim3A_732, %select_n3A_713 : vector<256x4096xi1>, vector<256x4096xf32>
      %reduce_min3A_734 = arith.constant dense<0x7F800000> : vector<256xf32>
      %reduce_min3A_735 = vector.multi_reduction <minimumf>, %select_n3A_733, %reduce_min3A_734 [1] : vector<256x4096xf32> to vector<256xf32>
      %broadcast_in_dim3A_736 = vector.shape_cast %reduce_min3A_735 : vector<256xf32> to vector<256x1xf32>
      %eq3A_737 = vector.broadcast %broadcast_in_dim3A_736 : vector<256x1xf32> to vector<256x4096xf32>
      %eq3A_738 = arith.cmpf oeq, %select_n3A_733, %eq3A_737 : vector<256x4096xf32>
      %jit3A_739 = arith.constant 4096 : i32
      %broadcast_in_dim3A_740 = vector.broadcast %jit3A_739 : i32 to vector<256x4096xi32>
      %select_n3A_741 = arith.select %eq3A_738, %iota3A_634, %broadcast_in_dim3A_740 : vector<256x4096xi1>, vector<256x4096xi32>
      %reduce_min3A_742 = arith.constant dense<2147483647> : vector<256xi32>
      %reduce_min3A_743 = vector.multi_reduction <minsi>, %select_n3A_741, %reduce_min3A_742 [1] : vector<256x4096xi32> to vector<256xi32>
      %broadcast_in_dim3A_744 = vector.shape_cast %reduce_min3A_743 : vector<256xi32> to vector<256x1xi32>
      %eq3A_745 = vector.broadcast %broadcast_in_dim3A_744 : vector<256x1xi32> to vector<256x4096xi32>
      %eq3A_746 = arith.cmpi eq, %iota3A_634, %eq3A_745 : vector<256x4096xi32>
      %mul3A_747 = arith.constant 4096 : i32
      %mul3A_748 = arith.muli %arg1, %mul3A_747 : i32
      %add3A_749 = vector.broadcast %mul3A_748 : i32 to vector<256x1xi32>
      %add3A_750 = arith.addi %broadcast_in_dim3A_744, %add3A_749 : vector<256x1xi32>
      %jit3A_751 = arith.constant 1.000000e+09 : f32
      %broadcast_in_dim3A_752 = vector.broadcast %jit3A_751 : f32 to vector<256x4096xf32>
      %select_n3A_753 = arith.select %eq3A_746, %broadcast_in_dim3A_752, %select_n3A_733 : vector<256x4096xi1>, vector<256x4096xf32>
      %reduce_min3A_754 = arith.constant dense<0x7F800000> : vector<256xf32>
      %reduce_min3A_755 = vector.multi_reduction <minimumf>, %select_n3A_753, %reduce_min3A_754 [1] : vector<256x4096xf32> to vector<256xf32>
      %broadcast_in_dim3A_756 = vector.shape_cast %reduce_min3A_755 : vector<256xf32> to vector<256x1xf32>
      %eq3A_757 = vector.broadcast %broadcast_in_dim3A_756 : vector<256x1xf32> to vector<256x4096xf32>
      %eq3A_758 = arith.cmpf oeq, %select_n3A_753, %eq3A_757 : vector<256x4096xf32>
      %jit3A_759 = arith.constant 4096 : i32
      %broadcast_in_dim3A_760 = vector.broadcast %jit3A_759 : i32 to vector<256x4096xi32>
      %select_n3A_761 = arith.select %eq3A_758, %iota3A_634, %broadcast_in_dim3A_760 : vector<256x4096xi1>, vector<256x4096xi32>
      %reduce_min3A_762 = arith.constant dense<2147483647> : vector<256xi32>
      %reduce_min3A_763 = vector.multi_reduction <minsi>, %select_n3A_761, %reduce_min3A_762 [1] : vector<256x4096xi32> to vector<256xi32>
      %broadcast_in_dim3A_764 = vector.shape_cast %reduce_min3A_763 : vector<256xi32> to vector<256x1xi32>
      %eq3A_765 = vector.broadcast %broadcast_in_dim3A_764 : vector<256x1xi32> to vector<256x4096xi32>
      %eq3A_766 = arith.cmpi eq, %iota3A_634, %eq3A_765 : vector<256x4096xi32>
      %mul3A_767 = arith.constant 4096 : i32
      %mul3A_768 = arith.muli %arg1, %mul3A_767 : i32
      %add3A_769 = vector.broadcast %mul3A_768 : i32 to vector<256x1xi32>
      %add3A_770 = arith.addi %broadcast_in_dim3A_764, %add3A_769 : vector<256x1xi32>
      %jit3A_771 = arith.constant 1.000000e+09 : f32
      %broadcast_in_dim3A_772 = vector.broadcast %jit3A_771 : f32 to vector<256x4096xf32>
      %select_n3A_773 = arith.select %eq3A_766, %broadcast_in_dim3A_772, %select_n3A_753 : vector<256x4096xi1>, vector<256x4096xf32>
      %reduce_min3A_774 = arith.constant dense<0x7F800000> : vector<256xf32>
      %reduce_min3A_775 = vector.multi_reduction <minimumf>, %select_n3A_773, %reduce_min3A_774 [1] : vector<256x4096xf32> to vector<256xf32>
      %broadcast_in_dim3A_776 = vector.shape_cast %reduce_min3A_775 : vector<256xf32> to vector<256x1xf32>
      %eq3A_777 = vector.broadcast %broadcast_in_dim3A_776 : vector<256x1xf32> to vector<256x4096xf32>
      %eq3A_778 = arith.cmpf oeq, %select_n3A_773, %eq3A_777 : vector<256x4096xf32>
      %jit3A_779 = arith.constant 4096 : i32
      %broadcast_in_dim3A_780 = vector.broadcast %jit3A_779 : i32 to vector<256x4096xi32>
      %select_n3A_781 = arith.select %eq3A_778, %iota3A_634, %broadcast_in_dim3A_780 : vector<256x4096xi1>, vector<256x4096xi32>
      %reduce_min3A_782 = arith.constant dense<2147483647> : vector<256xi32>
      %reduce_min3A_783 = vector.multi_reduction <minsi>, %select_n3A_781, %reduce_min3A_782 [1] : vector<256x4096xi32> to vector<256xi32>
      %broadcast_in_dim3A_784 = vector.shape_cast %reduce_min3A_783 : vector<256xi32> to vector<256x1xi32>
      %mul3A_785 = arith.constant 4096 : i32
      %mul3A_786 = arith.muli %arg1, %mul3A_785 : i32
      %add3A_787 = vector.broadcast %mul3A_786 : i32 to vector<256x1xi32>
      %add3A_788 = arith.addi %broadcast_in_dim3A_784, %add3A_787 : vector<256x1xi32>
      %concatenate3A = tpu.concatenate %broadcast_in_dim3A_636, %broadcast_in_dim3A_656, %broadcast_in_dim3A_676, %broadcast_in_dim3A_696, %broadcast_in_dim3A_716, %broadcast_in_dim3A_736, %broadcast_in_dim3A_756, %broadcast_in_dim3A_776 in 1 : vector<256x1xf32>, vector<256x1xf32>, vector<256x1xf32>, vector<256x1xf32>, vector<256x1xf32>, vector<256x1xf32>, vector<256x1xf32>, vector<256x1xf32> -> vector<256x8xf32>
      %concatenate3A_789 = tpu.concatenate %add3A_650, %add3A_670, %add3A_690, %add3A_710, %add3A_730, %add3A_750, %add3A_770, %add3A_788 in 1 : vector<256x1xi32>, vector<256x1xi32>, vector<256x1xi32>, vector<256x1xi32>, vector<256x1xi32>, vector<256x1xi32>, vector<256x1xi32>, vector<256x1xi32> -> vector<256x8xi32>
      %broadcast_in_dim3A_790 = arith.constant 1.000000e+09 : f32
      %broadcast_in_dim3A_791 = vector.broadcast %broadcast_in_dim3A_790 : f32 to vector<256x120xf32>
      %broadcast_in_dim3A_792 = arith.constant 0 : i32
      %broadcast_in_dim3A_793 = vector.broadcast %broadcast_in_dim3A_792 : i32 to vector<256x120xi32>
      %concatenate3A_794 = tpu.concatenate %concatenate3A, %broadcast_in_dim3A_791 in 1 : vector<256x8xf32>, vector<256x120xf32> -> vector<256x128xf32>
      %swap3A = arith.constant 0 : index
      %swap3A_795 = arith.index_cast %mul3A_621 : i32 to index
      %swap3A_796 = vector.load %arg6[%swap3A, %swap3A_795] : memref<256x4096xf32, #tpu.memory_space<vmem>>, vector<256x128xf32>
      tpu.vector_store %arg6[%swap3A, %swap3A_795], %concatenate3A_794 {strides = array<i32>} : memref<256x4096xf32, #tpu.memory_space<vmem>>, vector<256x128xf32>,
      %broadcast_in_dim3A_797 = arith.constant 1.000000e+09 : f32
      %broadcast_in_dim3A_798 = vector.broadcast %broadcast_in_dim3A_797 : f32 to vector<256x128xf32>
      %add3A_799 = arith.constant 128 : i32
      %add3A_800 = arith.addi %mul3A_621, %add3A_799 : i32
      %swap3A_801 = arith.constant 0 : index
      %swap3A_802 = arith.index_cast %add3A_800 : i32 to index
      %swap3A_803 = vector.load %arg6[%swap3A_801, %swap3A_802] : memref<256x4096xf32, #tpu.memory_space<vmem>>, vector<256x128xf32>
      tpu.vector_store %arg6[%swap3A_801, %swap3A_802], %broadcast_in_dim3A_798 {strides = array<i32>} : memref<256x4096xf32, #tpu.memory_space<vmem>>, vector<256x128xf32>,
      %concatenate3A_804 = tpu.concatenate %concatenate3A_789, %broadcast_in_dim3A_793 in 1 : vector<256x8xi32>, vector<256x120xi32> -> vector<256x128xi32>
      %swap3A_805 = arith.constant 0 : index
      %swap3A_806 = arith.index_cast %mul3A_621 : i32 to index
      %swap3A_807 = vector.load %arg7[%swap3A_805, %swap3A_806] : memref<256x4096xi32, #tpu.memory_space<vmem>>, vector<256x128xi32>
      tpu.vector_store %arg7[%swap3A_805, %swap3A_806], %concatenate3A_804 {strides = array<i32>} : memref<256x4096xi32, #tpu.memory_space<vmem>>, vector<256x128xi32>,
      %broadcast_in_dim3A_808 = arith.constant 0 : i32
      %broadcast_in_dim3A_809 = vector.broadcast %broadcast_in_dim3A_808 : i32 to vector<256x128xi32>
      %add3A_810 = arith.constant 128 : i32
      %add3A_811 = arith.addi %mul3A_621, %add3A_810 : i32
      %swap3A_812 = arith.constant 0 : index
      %swap3A_813 = arith.index_cast %add3A_811 : i32 to index
      %swap3A_814 = vector.load %arg7[%swap3A_812, %swap3A_813] : memref<256x4096xi32, #tpu.memory_space<vmem>>, vector<256x128xi32>
      tpu.vector_store %arg7[%swap3A_812, %swap3A_813], %broadcast_in_dim3A_809 {strides = array<i32>} : memref<256x4096xi32, #tpu.memory_space<vmem>>, vector<256x128xi32>,
    } else {
    }
    %eq3A_629 = arith.constant 15 : i32
    %eq3A_630 = arith.cmpi eq, %arg1, %eq3A_629 : i32
    %convert_element_type3A_631 = arith.extui %eq3A_630 : i1 to i32
    %cond3A_632 = arith.constant 0 : i32
    %cond3A_633 = arith.cmpi ne, %convert_element_type3A_631, %cond3A_632 : i32
    scf.if %cond3A_633 {
      %get3A_634 = arith.constant 0 : index
      %get3A_635 = arith.constant 0 : index
      %get3A_636 = vector.load %arg6[%get3A_634, %get3A_635] : memref<256x4096xf32, #tpu.memory_space<vmem>>, vector<256x4096xf32>
      %get3A_637 = arith.constant 0 : index
      %get3A_638 = arith.constant 0 : index
      %get3A_639 = vector.load %arg7[%get3A_637, %get3A_638] : memref<256x4096xi32, #tpu.memory_space<vmem>>, vector<256x4096xi32>
      %iota3A_640 = tpu.iota {dimensions = array<i32: 1>} : vector<256x4096xi32>
      %reduce_min3A = arith.constant dense<0x7F800000> : vector<256xf32>
      %reduce_min3A_641 = vector.multi_reduction <minimumf>, %get3A_636, %reduce_min3A [1] : vector<256x4096xf32> to vector<256xf32>
      %broadcast_in_dim3A_642 = vector.shape_cast %reduce_min3A_641 : vector<256xf32> to vector<256x1xf32>
      %eq3A_643 = vector.broadcast %broadcast_in_dim3A_642 : vector<256x1xf32> to vector<256x4096xf32>
      %eq3A_644 = arith.cmpf oeq, %get3A_636, %eq3A_643 : vector<256x4096xf32>
      %jit3A_645 = arith.constant 4096 : i32
      %broadcast_in_dim3A_646 = vector.broadcast %jit3A_645 : i32 to vector<256x4096xi32>
      %select_n3A_647 = arith.select %eq3A_644, %iota3A_640, %broadcast_in_dim3A_646 : vector<256x4096xi1>, vector<256x4096xi32>
      %reduce_min3A_648 = arith.constant dense<2147483647> : vector<256xi32>
      %reduce_min3A_649 = vector.multi_reduction <minsi>, %select_n3A_647, %reduce_min3A_648 [1] : vector<256x4096xi32> to vector<256xi32>
      %broadcast_in_dim3A_650 = vector.shape_cast %reduce_min3A_649 : vector<256xi32> to vector<256x1xi32>
      %eq3A_651 = vector.broadcast %broadcast_in_dim3A_650 : vector<256x1xi32> to vector<256x4096xi32>
      %eq3A_652 = arith.cmpi eq, %iota3A_640, %eq3A_651 : vector<256x4096xi32>
      %jit3A_653 = arith.constant 0 : i32
      %broadcast_in_dim3A_654 = vector.broadcast %jit3A_653 : i32 to vector<256x4096xi32>
      %select_n3A_655 = arith.select %eq3A_652, %get3A_639, %broadcast_in_dim3A_654 : vector<256x4096xi1>, vector<256x4096xi32>
      %reduce_max3A_656 = arith.constant dense<-2147483648> : vector<256xi32>
      %reduce_max3A_657 = vector.multi_reduction <maxsi>, %select_n3A_655, %reduce_max3A_656 [1] : vector<256x4096xi32> to vector<256xi32>
      %broadcast_in_dim3A_658 = vector.shape_cast %reduce_max3A_657 : vector<256xi32> to vector<256x1xi32>
      %jit3A_659 = arith.constant 1.000000e+09 : f32
      %broadcast_in_dim3A_660 = vector.broadcast %jit3A_659 : f32 to vector<256x4096xf32>
      %select_n3A_661 = arith.select %eq3A_652, %broadcast_in_dim3A_660, %get3A_636 : vector<256x4096xi1>, vector<256x4096xf32>
      %reduce_min3A_662 = arith.constant dense<0x7F800000> : vector<256xf32>
      %reduce_min3A_663 = vector.multi_reduction <minimumf>, %select_n3A_661, %reduce_min3A_662 [1] : vector<256x4096xf32> to vector<256xf32>
      %broadcast_in_dim3A_664 = vector.shape_cast %reduce_min3A_663 : vector<256xf32> to vector<256x1xf32>
      %eq3A_665 = vector.broadcast %broadcast_in_dim3A_664 : vector<256x1xf32> to vector<256x4096xf32>
      %eq3A_666 = arith.cmpf oeq, %select_n3A_661, %eq3A_665 : vector<256x4096xf32>
      %jit3A_667 = arith.constant 4096 : i32
      %broadcast_in_dim3A_668 = vector.broadcast %jit3A_667 : i32 to vector<256x4096xi32>
      %select_n3A_669 = arith.select %eq3A_666, %iota3A_640, %broadcast_in_dim3A_668 : vector<256x4096xi1>, vector<256x4096xi32>
      %reduce_min3A_670 = arith.constant dense<2147483647> : vector<256xi32>
      %reduce_min3A_671 = vector.multi_reduction <minsi>, %select_n3A_669, %reduce_min3A_670 [1] : vector<256x4096xi32> to vector<256xi32>
      %broadcast_in_dim3A_672 = vector.shape_cast %reduce_min3A_671 : vector<256xi32> to vector<256x1xi32>
      %eq3A_673 = vector.broadcast %broadcast_in_dim3A_672 : vector<256x1xi32> to vector<256x4096xi32>
      %eq3A_674 = arith.cmpi eq, %iota3A_640, %eq3A_673 : vector<256x4096xi32>
      %jit3A_675 = arith.constant 0 : i32
      %broadcast_in_dim3A_676 = vector.broadcast %jit3A_675 : i32 to vector<256x4096xi32>
      %select_n3A_677 = arith.select %eq3A_674, %get3A_639, %broadcast_in_dim3A_676 : vector<256x4096xi1>, vector<256x4096xi32>
      %reduce_max3A_678 = arith.constant dense<-2147483648> : vector<256xi32>
      %reduce_max3A_679 = vector.multi_reduction <maxsi>, %select_n3A_677, %reduce_max3A_678 [1] : vector<256x4096xi32> to vector<256xi32>
      %broadcast_in_dim3A_680 = vector.shape_cast %reduce_max3A_679 : vector<256xi32> to vector<256x1xi32>
      %jit3A_681 = arith.constant 1.000000e+09 : f32
      %broadcast_in_dim3A_682 = vector.broadcast %jit3A_681 : f32 to vector<256x4096xf32>
      %select_n3A_683 = arith.select %eq3A_674, %broadcast_in_dim3A_682, %select_n3A_661 : vector<256x4096xi1>, vector<256x4096xf32>
      %reduce_min3A_684 = arith.constant dense<0x7F800000> : vector<256xf32>
      %reduce_min3A_685 = vector.multi_reduction <minimumf>, %select_n3A_683, %reduce_min3A_684 [1] : vector<256x4096xf32> to vector<256xf32>
      %broadcast_in_dim3A_686 = vector.shape_cast %reduce_min3A_685 : vector<256xf32> to vector<256x1xf32>
      %eq3A_687 = vector.broadcast %broadcast_in_dim3A_686 : vector<256x1xf32> to vector<256x4096xf32>
      %eq3A_688 = arith.cmpf oeq, %select_n3A_683, %eq3A_687 : vector<256x4096xf32>
      %jit3A_689 = arith.constant 4096 : i32
      %broadcast_in_dim3A_690 = vector.broadcast %jit3A_689 : i32 to vector<256x4096xi32>
      %select_n3A_691 = arith.select %eq3A_688, %iota3A_640, %broadcast_in_dim3A_690 : vector<256x4096xi1>, vector<256x4096xi32>
      %reduce_min3A_692 = arith.constant dense<2147483647> : vector<256xi32>
      %reduce_min3A_693 = vector.multi_reduction <minsi>, %select_n3A_691, %reduce_min3A_692 [1] : vector<256x4096xi32> to vector<256xi32>
      %broadcast_in_dim3A_694 = vector.shape_cast %reduce_min3A_693 : vector<256xi32> to vector<256x1xi32>
      %eq3A_695 = vector.broadcast %broadcast_in_dim3A_694 : vector<256x1xi32> to vector<256x4096xi32>
      %eq3A_696 = arith.cmpi eq, %iota3A_640, %eq3A_695 : vector<256x4096xi32>
      %jit3A_697 = arith.constant 0 : i32
      %broadcast_in_dim3A_698 = vector.broadcast %jit3A_697 : i32 to vector<256x4096xi32>
      %select_n3A_699 = arith.select %eq3A_696, %get3A_639, %broadcast_in_dim3A_698 : vector<256x4096xi1>, vector<256x4096xi32>
      %reduce_max3A_700 = arith.constant dense<-2147483648> : vector<256xi32>
      %reduce_max3A_701 = vector.multi_reduction <maxsi>, %select_n3A_699, %reduce_max3A_700 [1] : vector<256x4096xi32> to vector<256xi32>
      %broadcast_in_dim3A_702 = vector.shape_cast %reduce_max3A_701 : vector<256xi32> to vector<256x1xi32>
      %jit3A_703 = arith.constant 1.000000e+09 : f32
      %broadcast_in_dim3A_704 = vector.broadcast %jit3A_703 : f32 to vector<256x4096xf32>
      %select_n3A_705 = arith.select %eq3A_696, %broadcast_in_dim3A_704, %select_n3A_683 : vector<256x4096xi1>, vector<256x4096xf32>
      %reduce_min3A_706 = arith.constant dense<0x7F800000> : vector<256xf32>
      %reduce_min3A_707 = vector.multi_reduction <minimumf>, %select_n3A_705, %reduce_min3A_706 [1] : vector<256x4096xf32> to vector<256xf32>
      %broadcast_in_dim3A_708 = vector.shape_cast %reduce_min3A_707 : vector<256xf32> to vector<256x1xf32>
      %eq3A_709 = vector.broadcast %broadcast_in_dim3A_708 : vector<256x1xf32> to vector<256x4096xf32>
      %eq3A_710 = arith.cmpf oeq, %select_n3A_705, %eq3A_709 : vector<256x4096xf32>
      %jit3A_711 = arith.constant 4096 : i32
      %broadcast_in_dim3A_712 = vector.broadcast %jit3A_711 : i32 to vector<256x4096xi32>
      %select_n3A_713 = arith.select %eq3A_710, %iota3A_640, %broadcast_in_dim3A_712 : vector<256x4096xi1>, vector<256x4096xi32>
      %reduce_min3A_714 = arith.constant dense<2147483647> : vector<256xi32>
      %reduce_min3A_715 = vector.multi_reduction <minsi>, %select_n3A_713, %reduce_min3A_714 [1] : vector<256x4096xi32> to vector<256xi32>
      %broadcast_in_dim3A_716 = vector.shape_cast %reduce_min3A_715 : vector<256xi32> to vector<256x1xi32>
      %eq3A_717 = vector.broadcast %broadcast_in_dim3A_716 : vector<256x1xi32> to vector<256x4096xi32>
      %eq3A_718 = arith.cmpi eq, %iota3A_640, %eq3A_717 : vector<256x4096xi32>
      %jit3A_719 = arith.constant 0 : i32
      %broadcast_in_dim3A_720 = vector.broadcast %jit3A_719 : i32 to vector<256x4096xi32>
      %select_n3A_721 = arith.select %eq3A_718, %get3A_639, %broadcast_in_dim3A_720 : vector<256x4096xi1>, vector<256x4096xi32>
      %reduce_max3A_722 = arith.constant dense<-2147483648> : vector<256xi32>
      %reduce_max3A_723 = vector.multi_reduction <maxsi>, %select_n3A_721, %reduce_max3A_722 [1] : vector<256x4096xi32> to vector<256xi32>
      %broadcast_in_dim3A_724 = vector.shape_cast %reduce_max3A_723 : vector<256xi32> to vector<256x1xi32>
      %jit3A_725 = arith.constant 1.000000e+09 : f32
      %broadcast_in_dim3A_726 = vector.broadcast %jit3A_725 : f32 to vector<256x4096xf32>
      %select_n3A_727 = arith.select %eq3A_718, %broadcast_in_dim3A_726, %select_n3A_705 : vector<256x4096xi1>, vector<256x4096xf32>
      %reduce_min3A_728 = arith.constant dense<0x7F800000> : vector<256xf32>
      %reduce_min3A_729 = vector.multi_reduction <minimumf>, %select_n3A_727, %reduce_min3A_728 [1] : vector<256x4096xf32> to vector<256xf32>
      %broadcast_in_dim3A_730 = vector.shape_cast %reduce_min3A_729 : vector<256xf32> to vector<256x1xf32>
      %eq3A_731 = vector.broadcast %broadcast_in_dim3A_730 : vector<256x1xf32> to vector<256x4096xf32>
      %eq3A_732 = arith.cmpf oeq, %select_n3A_727, %eq3A_731 : vector<256x4096xf32>
      %jit3A_733 = arith.constant 4096 : i32
      %broadcast_in_dim3A_734 = vector.broadcast %jit3A_733 : i32 to vector<256x4096xi32>
      %select_n3A_735 = arith.select %eq3A_732, %iota3A_640, %broadcast_in_dim3A_734 : vector<256x4096xi1>, vector<256x4096xi32>
      %reduce_min3A_736 = arith.constant dense<2147483647> : vector<256xi32>
      %reduce_min3A_737 = vector.multi_reduction <minsi>, %select_n3A_735, %reduce_min3A_736 [1] : vector<256x4096xi32> to vector<256xi32>
      %broadcast_in_dim3A_738 = vector.shape_cast %reduce_min3A_737 : vector<256xi32> to vector<256x1xi32>
      %eq3A_739 = vector.broadcast %broadcast_in_dim3A_738 : vector<256x1xi32> to vector<256x4096xi32>
      %eq3A_740 = arith.cmpi eq, %iota3A_640, %eq3A_739 : vector<256x4096xi32>
      %jit3A_741 = arith.constant 0 : i32
      %broadcast_in_dim3A_742 = vector.broadcast %jit3A_741 : i32 to vector<256x4096xi32>
      %select_n3A_743 = arith.select %eq3A_740, %get3A_639, %broadcast_in_dim3A_742 : vector<256x4096xi1>, vector<256x4096xi32>
      %reduce_max3A_744 = arith.constant dense<-2147483648> : vector<256xi32>
      %reduce_max3A_745 = vector.multi_reduction <maxsi>, %select_n3A_743, %reduce_max3A_744 [1] : vector<256x4096xi32> to vector<256xi32>
      %broadcast_in_dim3A_746 = vector.shape_cast %reduce_max3A_745 : vector<256xi32> to vector<256x1xi32>
      %jit3A_747 = arith.constant 1.000000e+09 : f32
      %broadcast_in_dim3A_748 = vector.broadcast %jit3A_747 : f32 to vector<256x4096xf32>
      %select_n3A_749 = arith.select %eq3A_740, %broadcast_in_dim3A_748, %select_n3A_727 : vector<256x4096xi1>, vector<256x4096xf32>
      %reduce_min3A_750 = arith.constant dense<0x7F800000> : vector<256xf32>
      %reduce_min3A_751 = vector.multi_reduction <minimumf>, %select_n3A_749, %reduce_min3A_750 [1] : vector<256x4096xf32> to vector<256xf32>
      %broadcast_in_dim3A_752 = vector.shape_cast %reduce_min3A_751 : vector<256xf32> to vector<256x1xf32>
      %eq3A_753 = vector.broadcast %broadcast_in_dim3A_752 : vector<256x1xf32> to vector<256x4096xf32>
      %eq3A_754 = arith.cmpf oeq, %select_n3A_749, %eq3A_753 : vector<256x4096xf32>
      %jit3A_755 = arith.constant 4096 : i32
      %broadcast_in_dim3A_756 = vector.broadcast %jit3A_755 : i32 to vector<256x4096xi32>
      %select_n3A_757 = arith.select %eq3A_754, %iota3A_640, %broadcast_in_dim3A_756 : vector<256x4096xi1>, vector<256x4096xi32>
      %reduce_min3A_758 = arith.constant dense<2147483647> : vector<256xi32>
      %reduce_min3A_759 = vector.multi_reduction <minsi>, %select_n3A_757, %reduce_min3A_758 [1] : vector<256x4096xi32> to vector<256xi32>
      %broadcast_in_dim3A_760 = vector.shape_cast %reduce_min3A_759 : vector<256xi32> to vector<256x1xi32>
      %eq3A_761 = vector.broadcast %broadcast_in_dim3A_760 : vector<256x1xi32> to vector<256x4096xi32>
      %eq3A_762 = arith.cmpi eq, %iota3A_640, %eq3A_761 : vector<256x4096xi32>
      %jit3A_763 = arith.constant 0 : i32
      %broadcast_in_dim3A_764 = vector.broadcast %jit3A_763 : i32 to vector<256x4096xi32>
      %select_n3A_765 = arith.select %eq3A_762, %get3A_639, %broadcast_in_dim3A_764 : vector<256x4096xi1>, vector<256x4096xi32>
      %reduce_max3A_766 = arith.constant dense<-2147483648> : vector<256xi32>
      %reduce_max3A_767 = vector.multi_reduction <maxsi>, %select_n3A_765, %reduce_max3A_766 [1] : vector<256x4096xi32> to vector<256xi32>
      %broadcast_in_dim3A_768 = vector.shape_cast %reduce_max3A_767 : vector<256xi32> to vector<256x1xi32>
      %jit3A_769 = arith.constant 1.000000e+09 : f32
      %broadcast_in_dim3A_770 = vector.broadcast %jit3A_769 : f32 to vector<256x4096xf32>
      %select_n3A_771 = arith.select %eq3A_762, %broadcast_in_dim3A_770, %select_n3A_749 : vector<256x4096xi1>, vector<256x4096xf32>
      %reduce_min3A_772 = arith.constant dense<0x7F800000> : vector<256xf32>
      %reduce_min3A_773 = vector.multi_reduction <minimumf>, %select_n3A_771, %reduce_min3A_772 [1] : vector<256x4096xf32> to vector<256xf32>
      %broadcast_in_dim3A_774 = vector.shape_cast %reduce_min3A_773 : vector<256xf32> to vector<256x1xf32>
      %eq3A_775 = vector.broadcast %broadcast_in_dim3A_774 : vector<256x1xf32> to vector<256x4096xf32>
      %eq3A_776 = arith.cmpf oeq, %select_n3A_771, %eq3A_775 : vector<256x4096xf32>
      %jit3A_777 = arith.constant 4096 : i32
      %broadcast_in_dim3A_778 = vector.broadcast %jit3A_777 : i32 to vector<256x4096xi32>
      %select_n3A_779 = arith.select %eq3A_776, %iota3A_640, %broadcast_in_dim3A_778 : vector<256x4096xi1>, vector<256x4096xi32>
      %reduce_min3A_780 = arith.constant dense<2147483647> : vector<256xi32>
      %reduce_min3A_781 = vector.multi_reduction <minsi>, %select_n3A_779, %reduce_min3A_780 [1] : vector<256x4096xi32> to vector<256xi32>
      %broadcast_in_dim3A_782 = vector.shape_cast %reduce_min3A_781 : vector<256xi32> to vector<256x1xi32>
      %eq3A_783 = vector.broadcast %broadcast_in_dim3A_782 : vector<256x1xi32> to vector<256x4096xi32>
      %eq3A_784 = arith.cmpi eq, %iota3A_640, %eq3A_783 : vector<256x4096xi32>
      %jit3A_785 = arith.constant 0 : i32
      %broadcast_in_dim3A_786 = vector.broadcast %jit3A_785 : i32 to vector<256x4096xi32>
      %select_n3A_787 = arith.select %eq3A_784, %get3A_639, %broadcast_in_dim3A_786 : vector<256x4096xi1>, vector<256x4096xi32>
      %reduce_max3A_788 = arith.constant dense<-2147483648> : vector<256xi32>
      %reduce_max3A_789 = vector.multi_reduction <maxsi>, %select_n3A_787, %reduce_max3A_788 [1] : vector<256x4096xi32> to vector<256xi32>
      %broadcast_in_dim3A_790 = vector.shape_cast %reduce_max3A_789 : vector<256xi32> to vector<256x1xi32>
      %jit3A_791 = arith.constant 1.000000e+09 : f32
      %broadcast_in_dim3A_792 = vector.broadcast %jit3A_791 : f32 to vector<256x4096xf32>
      %select_n3A_793 = arith.select %eq3A_784, %broadcast_in_dim3A_792, %select_n3A_771 : vector<256x4096xi1>, vector<256x4096xf32>
      %reduce_min3A_794 = arith.constant dense<0x7F800000> : vector<256xf32>
      %reduce_min3A_795 = vector.multi_reduction <minimumf>, %select_n3A_793, %reduce_min3A_794 [1] : vector<256x4096xf32> to vector<256xf32>
      %broadcast_in_dim3A_796 = vector.shape_cast %reduce_min3A_795 : vector<256xf32> to vector<256x1xf32>
      %eq3A_797 = vector.broadcast %broadcast_in_dim3A_796 : vector<256x1xf32> to vector<256x4096xf32>
      %eq3A_798 = arith.cmpf oeq, %select_n3A_793, %eq3A_797 : vector<256x4096xf32>
      %jit3A_799 = arith.constant 4096 : i32
      %broadcast_in_dim3A_800 = vector.broadcast %jit3A_799 : i32 to vector<256x4096xi32>
      %select_n3A_801 = arith.select %eq3A_798, %iota3A_640, %broadcast_in_dim3A_800 : vector<256x4096xi1>, vector<256x4096xi32>
      %reduce_min3A_802 = arith.constant dense<2147483647> : vector<256xi32>
      %reduce_min3A_803 = vector.multi_reduction <minsi>, %select_n3A_801, %reduce_min3A_802 [1] : vector<256x4096xi32> to vector<256xi32>
      %broadcast_in_dim3A_804 = vector.shape_cast %reduce_min3A_803 : vector<256xi32> to vector<256x1xi32>
      %eq3A_805 = vector.broadcast %broadcast_in_dim3A_804 : vector<256x1xi32> to vector<256x4096xi32>
      %eq3A_806 = arith.cmpi eq, %iota3A_640, %eq3A_805 : vector<256x4096xi32>
      %jit3A_807 = arith.constant 0 : i32
      %broadcast_in_dim3A_808 = vector.broadcast %jit3A_807 : i32 to vector<256x4096xi32>
      %select_n3A_809 = arith.select %eq3A_806, %get3A_639, %broadcast_in_dim3A_808 : vector<256x4096xi1>, vector<256x4096xi32>
      %reduce_max3A_810 = arith.constant dense<-2147483648> : vector<256xi32>
      %reduce_max3A_811 = vector.multi_reduction <maxsi>, %select_n3A_809, %reduce_max3A_810 [1] : vector<256x4096xi32> to vector<256xi32>
      %broadcast_in_dim3A_812 = vector.shape_cast %reduce_max3A_811 : vector<256xi32> to vector<256x1xi32>
      %concatenate3A = tpu.concatenate %broadcast_in_dim3A_642, %broadcast_in_dim3A_664, %broadcast_in_dim3A_686, %broadcast_in_dim3A_708, %broadcast_in_dim3A_730, %broadcast_in_dim3A_752, %broadcast_in_dim3A_774, %broadcast_in_dim3A_796 in 1 : vector<256x1xf32>, vector<256x1xf32>, vector<256x1xf32>, vector<256x1xf32>, vector<256x1xf32>, vector<256x1xf32>, vector<256x1xf32>, vector<256x1xf32> -> vector<256x8xf32>
      %concatenate3A_813 = tpu.concatenate %broadcast_in_dim3A_658, %broadcast_in_dim3A_680, %broadcast_in_dim3A_702, %broadcast_in_dim3A_724, %broadcast_in_dim3A_746, %broadcast_in_dim3A_768, %broadcast_in_dim3A_790, %broadcast_in_dim3A_812 in 1 : vector<256x1xi32>, vector<256x1xi32>, vector<256x1xi32>, vector<256x1xi32>, vector<256x1xi32>, vector<256x1xi32>, vector<256x1xi32>, vector<256x1xi32> -> vector<256x8xi32>
      %max3A = arith.constant 0.000000e+00 : f32
      %max3A_814 = vector.broadcast %max3A : f32 to vector<256x8xf32>
      %max3A_815 = arith.maximumf %concatenate3A, %max3A_814 : vector<256x8xf32>
      %sqrt3A = math.sqrt %max3A_815 : vector<256x8xf32>
      %lt3A_816 = arith.constant 5.000000e-02 : f32
      %lt3A_817 = vector.broadcast %lt3A_816 : f32 to vector<256x8xf32>
      %lt3A_818 = arith.cmpf olt, %sqrt3A, %lt3A_817 : vector<256x8xf32>
      %convert_element_type3A_819 = arith.extui %lt3A_818 : vector<256x8xi1> to vector<256x8xi32>
      %convert_element_type3A_820 = arith.sitofp %convert_element_type3A_819 : vector<256x8xi32> to vector<256x8xf32>
      %swap3A = arith.constant 0 : index
      %swap3A_821 = arith.constant 0 : index
      %swap3A_822 = vector.load %arg5[%swap3A, %swap3A_821] : memref<256x8xf32, #tpu.memory_space<vmem>>, vector<256x8xf32>
      tpu.vector_store %arg5[%swap3A, %swap3A_821], %convert_element_type3A_820 {strides = array<i32>} : memref<256x8xf32, #tpu.memory_space<vmem>>, vector<256x8xf32>,
      %swap3A_823 = arith.constant 0 : index
      %swap3A_824 = arith.constant 0 : index
      %swap3A_825 = vector.load %arg4[%swap3A_823, %swap3A_824] : memref<256x8xi32, #tpu.memory_space<vmem>>, vector<256x8xi32>
      tpu.vector_store %arg4[%swap3A_823, %swap3A_824], %concatenate3A_813 {strides = array<i32>} : memref<256x8xi32, #tpu.memory_space<vmem>>, vector<256x8xi32>,
    } else {
    }
    return
  }
  func.func @transform_0(%arg0: i32, %arg1: i32) -> (i32, i32) {
    %c0_i32 = arith.constant 0 : i32
    %c0_i32_0 = arith.constant 0 : i32
    return %arg0, %c0_i32 : i32, i32
  }
  func.func @transform_1(%arg0: i32, %arg1: i32) -> (i32, i32) {
    %c0_i32 = arith.constant 0 : i32
    %c0_i32_0 = arith.constant 0 : i32
    return %c0_i32, %arg1 : i32, i32
  }
  func.func @transform_2(%arg0: i32, %arg1: i32) -> (i32, i32) {
    %c0_i32 = arith.constant 0 : i32
    %c0_i32_0 = arith.constant 0 : i32
    return %arg0, %c0_i32 : i32, i32
  }
  func.func @transform_3(%arg0: i32, %arg1: i32) -> (i32, i32) {
    %c0_i32 = arith.constant 0 : i32
    %c0_i32_0 = arith.constant 0 : i32
    return %arg0, %c0_i32 : i32, i32
  }
}

module attributes {stable_mosaic.version = 14 : i64} {
  func.func @_mahal_body(%arg0: memref<16x8x2048xf32, #tpu.memory_space<vmem>>, %arg1: memref<8x2048xf32, #tpu.memory_space<vmem>>, %arg2: memref<3x2048xf32, #tpu.memory_space<vmem>>, %arg3: memref<1x2048xf32, #tpu.memory_space<vmem>>) attributes {dimension_semantics = [], scalar_prefetch = 0 : i64, scratch_operands = 0 : i64, tpu.core_type = #tpu.core_type<tc>} {
    %get3A = arith.constant 0 : index
    %get3A_0 = arith.constant 0 : index
    %get3A_1 = arith.constant 0 : index
    %get3A_2 = vector.load %arg0[%get3A, %get3A_0, %get3A_1] : memref<16x8x2048xf32, #tpu.memory_space<vmem>>, vector<1x8x2048xf32>
    %get3A_3 = vector.shape_cast %get3A_2 : vector<1x8x2048xf32> to vector<8x2048xf32>
    %get3A_4 = arith.constant 1 : index
    %get3A_5 = arith.constant 0 : index
    %get3A_6 = arith.constant 0 : index
    %get3A_7 = vector.load %arg0[%get3A_4, %get3A_5, %get3A_6] : memref<16x8x2048xf32, #tpu.memory_space<vmem>>, vector<1x8x2048xf32>
    %get3A_8 = vector.shape_cast %get3A_7 : vector<1x8x2048xf32> to vector<8x2048xf32>
    %get3A_9 = arith.constant 2 : index
    %get3A_10 = arith.constant 0 : index
    %get3A_11 = arith.constant 0 : index
    %get3A_12 = vector.load %arg0[%get3A_9, %get3A_10, %get3A_11] : memref<16x8x2048xf32, #tpu.memory_space<vmem>>, vector<1x8x2048xf32>
    %get3A_13 = vector.shape_cast %get3A_12 : vector<1x8x2048xf32> to vector<8x2048xf32>
    %get3A_14 = arith.constant 3 : index
    %get3A_15 = arith.constant 0 : index
    %get3A_16 = arith.constant 0 : index
    %get3A_17 = vector.load %arg0[%get3A_14, %get3A_15, %get3A_16] : memref<16x8x2048xf32, #tpu.memory_space<vmem>>, vector<1x8x2048xf32>
    %get3A_18 = vector.shape_cast %get3A_17 : vector<1x8x2048xf32> to vector<8x2048xf32>
    %get3A_19 = arith.constant 4 : index
    %get3A_20 = arith.constant 0 : index
    %get3A_21 = arith.constant 0 : index
    %get3A_22 = vector.load %arg0[%get3A_19, %get3A_20, %get3A_21] : memref<16x8x2048xf32, #tpu.memory_space<vmem>>, vector<1x8x2048xf32>
    %get3A_23 = vector.shape_cast %get3A_22 : vector<1x8x2048xf32> to vector<8x2048xf32>
    %get3A_24 = arith.constant 5 : index
    %get3A_25 = arith.constant 0 : index
    %get3A_26 = arith.constant 0 : index
    %get3A_27 = vector.load %arg0[%get3A_24, %get3A_25, %get3A_26] : memref<16x8x2048xf32, #tpu.memory_space<vmem>>, vector<1x8x2048xf32>
    %get3A_28 = vector.shape_cast %get3A_27 : vector<1x8x2048xf32> to vector<8x2048xf32>
    %get3A_29 = arith.constant 6 : index
    %get3A_30 = arith.constant 0 : index
    %get3A_31 = arith.constant 0 : index
    %get3A_32 = vector.load %arg0[%get3A_29, %get3A_30, %get3A_31] : memref<16x8x2048xf32, #tpu.memory_space<vmem>>, vector<1x8x2048xf32>
    %get3A_33 = vector.shape_cast %get3A_32 : vector<1x8x2048xf32> to vector<8x2048xf32>
    %get3A_34 = arith.constant 7 : index
    %get3A_35 = arith.constant 0 : index
    %get3A_36 = arith.constant 0 : index
    %get3A_37 = vector.load %arg0[%get3A_34, %get3A_35, %get3A_36] : memref<16x8x2048xf32, #tpu.memory_space<vmem>>, vector<1x8x2048xf32>
    %get3A_38 = vector.shape_cast %get3A_37 : vector<1x8x2048xf32> to vector<8x2048xf32>
    %get3A_39 = arith.constant 8 : index
    %get3A_40 = arith.constant 0 : index
    %get3A_41 = arith.constant 0 : index
    %get3A_42 = vector.load %arg0[%get3A_39, %get3A_40, %get3A_41] : memref<16x8x2048xf32, #tpu.memory_space<vmem>>, vector<1x8x2048xf32>
    %get3A_43 = vector.shape_cast %get3A_42 : vector<1x8x2048xf32> to vector<8x2048xf32>
    %get3A_44 = arith.constant 9 : index
    %get3A_45 = arith.constant 0 : index
    %get3A_46 = arith.constant 0 : index
    %get3A_47 = vector.load %arg0[%get3A_44, %get3A_45, %get3A_46] : memref<16x8x2048xf32, #tpu.memory_space<vmem>>, vector<1x8x2048xf32>
    %get3A_48 = vector.shape_cast %get3A_47 : vector<1x8x2048xf32> to vector<8x2048xf32>
    %get3A_49 = arith.constant 0 : index
    %get3A_50 = arith.constant 0 : index
    %get3A_51 = vector.load %arg1[%get3A_49, %get3A_50] : memref<8x2048xf32, #tpu.memory_space<vmem>>, vector<8x2048xf32>
    %get3A_52 = arith.constant 0 : index
    %get3A_53 = arith.constant 0 : index
    %get3A_54 = vector.load %arg2[%get3A_52, %get3A_53] : memref<3x2048xf32, #tpu.memory_space<vmem>>, vector<1x2048xf32>
    %sub3A = vector.broadcast %get3A_54 : vector<1x2048xf32> to vector<8x2048xf32>
    %sub3A_55 = arith.subf %sub3A, %get3A_3 : vector<8x2048xf32>
    %get3A_56 = arith.constant 1 : index
    %get3A_57 = arith.constant 0 : index
    %get3A_58 = vector.load %arg2[%get3A_56, %get3A_57] : memref<3x2048xf32, #tpu.memory_space<vmem>>, vector<1x2048xf32>
    %sub3A_59 = vector.broadcast %get3A_58 : vector<1x2048xf32> to vector<8x2048xf32>
    %sub3A_60 = arith.subf %sub3A_59, %get3A_8 : vector<8x2048xf32>
    %get3A_61 = arith.constant 2 : index
    %get3A_62 = arith.constant 0 : index
    %get3A_63 = vector.load %arg2[%get3A_61, %get3A_62] : memref<3x2048xf32, #tpu.memory_space<vmem>>, vector<1x2048xf32>
    %sub3A_64 = vector.broadcast %get3A_63 : vector<1x2048xf32> to vector<8x2048xf32>
    %sub3A_65 = arith.subf %sub3A_64, %get3A_13 : vector<8x2048xf32>
    %jit3A = arith.constant -5.000000e+00 : f32
    %jit3A_66 = arith.constant 5.000000e+00 : f32
    %max3A = vector.broadcast %jit3A : f32 to vector<8x2048xf32>
    %max3A_67 = arith.maximumf %max3A, %get3A_38 : vector<8x2048xf32>
    %min3A = vector.broadcast %jit3A_66 : f32 to vector<8x2048xf32>
    %min3A_68 = arith.minimumf %min3A, %max3A_67 : vector<8x2048xf32>
    %exp3A = math.exp %min3A_68 : vector<8x2048xf32>
    %jit3A_69 = arith.constant 9.99999974E-5 : f32
    %jit3A_70 = arith.constant 1.000000e+00 : f32
    %max3A_71 = vector.broadcast %jit3A_69 : f32 to vector<8x2048xf32>
    %max3A_72 = arith.maximumf %max3A_71, %exp3A : vector<8x2048xf32>
    %min3A_73 = vector.broadcast %jit3A_70 : f32 to vector<8x2048xf32>
    %min3A_74 = arith.minimumf %min3A_73, %max3A_72 : vector<8x2048xf32>
    %mul3A = arith.mulf %min3A_74, %min3A_74 : vector<8x2048xf32>
    %jit3A_75 = arith.constant -5.000000e+00 : f32
    %jit3A_76 = arith.constant 5.000000e+00 : f32
    %max3A_77 = vector.broadcast %jit3A_75 : f32 to vector<8x2048xf32>
    %max3A_78 = arith.maximumf %max3A_77, %get3A_43 : vector<8x2048xf32>
    %min3A_79 = vector.broadcast %jit3A_76 : f32 to vector<8x2048xf32>
    %min3A_80 = arith.minimumf %min3A_79, %max3A_78 : vector<8x2048xf32>
    %exp3A_81 = math.exp %min3A_80 : vector<8x2048xf32>
    %jit3A_82 = arith.constant 9.99999974E-5 : f32
    %jit3A_83 = arith.constant 1.000000e+00 : f32
    %max3A_84 = vector.broadcast %jit3A_82 : f32 to vector<8x2048xf32>
    %max3A_85 = arith.maximumf %max3A_84, %exp3A_81 : vector<8x2048xf32>
    %min3A_86 = vector.broadcast %jit3A_83 : f32 to vector<8x2048xf32>
    %min3A_87 = arith.minimumf %min3A_86, %max3A_85 : vector<8x2048xf32>
    %mul3A_88 = arith.mulf %min3A_87, %min3A_87 : vector<8x2048xf32>
    %jit3A_89 = arith.constant -5.000000e+00 : f32
    %jit3A_90 = arith.constant 5.000000e+00 : f32
    %max3A_91 = vector.broadcast %jit3A_89 : f32 to vector<8x2048xf32>
    %max3A_92 = arith.maximumf %max3A_91, %get3A_48 : vector<8x2048xf32>
    %min3A_93 = vector.broadcast %jit3A_90 : f32 to vector<8x2048xf32>
    %min3A_94 = arith.minimumf %min3A_93, %max3A_92 : vector<8x2048xf32>
    %exp3A_95 = math.exp %min3A_94 : vector<8x2048xf32>
    %jit3A_96 = arith.constant 9.99999974E-5 : f32
    %jit3A_97 = arith.constant 1.000000e+00 : f32
    %max3A_98 = vector.broadcast %jit3A_96 : f32 to vector<8x2048xf32>
    %max3A_99 = arith.maximumf %max3A_98, %exp3A_95 : vector<8x2048xf32>
    %min3A_100 = vector.broadcast %jit3A_97 : f32 to vector<8x2048xf32>
    %min3A_101 = arith.minimumf %min3A_100, %max3A_99 : vector<8x2048xf32>
    %mul3A_102 = arith.mulf %min3A_101, %min3A_101 : vector<8x2048xf32>
    %mul3A_103 = arith.mulf %get3A_18, %get3A_18 : vector<8x2048xf32>
    %mul3A_104 = arith.mulf %get3A_23, %get3A_23 : vector<8x2048xf32>
    %add3A = arith.addf %mul3A_103, %mul3A_104 : vector<8x2048xf32>
    %mul3A_105 = arith.mulf %get3A_28, %get3A_28 : vector<8x2048xf32>
    %add3A_106 = arith.addf %add3A, %mul3A_105 : vector<8x2048xf32>
    %mul3A_107 = arith.mulf %get3A_33, %get3A_33 : vector<8x2048xf32>
    %add3A_108 = arith.addf %add3A_106, %mul3A_107 : vector<8x2048xf32>
    %max3A_109 = arith.constant 1.000000e-16 : f32
    %max3A_110 = vector.broadcast %max3A_109 : f32 to vector<8x2048xf32>
    %max3A_111 = arith.maximumf %add3A_108, %max3A_110 : vector<8x2048xf32>
    %mul3A_112 = arith.mulf %get3A_23, %get3A_23 : vector<8x2048xf32>
    %mul3A_113 = arith.mulf %get3A_28, %get3A_28 : vector<8x2048xf32>
    %mul3A_114 = arith.mulf %get3A_33, %get3A_33 : vector<8x2048xf32>
    %mul3A_115 = arith.mulf %get3A_23, %get3A_28 : vector<8x2048xf32>
    %mul3A_116 = arith.mulf %get3A_23, %get3A_33 : vector<8x2048xf32>
    %mul3A_117 = arith.mulf %get3A_28, %get3A_33 : vector<8x2048xf32>
    %mul3A_118 = arith.mulf %get3A_18, %get3A_23 : vector<8x2048xf32>
    %mul3A_119 = arith.mulf %get3A_18, %get3A_28 : vector<8x2048xf32>
    %mul3A_120 = arith.mulf %get3A_18, %get3A_33 : vector<8x2048xf32>
    %add3A_121 = arith.addf %mul3A_113, %mul3A_114 : vector<8x2048xf32>
    %mul3A_122 = arith.constant 2.000000e+00 : f32
    %mul3A_123 = vector.broadcast %mul3A_122 : f32 to vector<8x2048xf32>
    %mul3A_124 = arith.mulf %mul3A_123, %add3A_121 : vector<8x2048xf32>
    %sub3A_125 = arith.subf %max3A_111, %mul3A_124 : vector<8x2048xf32>
    %sub3A_126 = arith.subf %mul3A_115, %mul3A_120 : vector<8x2048xf32>
    %mul3A_127 = arith.constant 2.000000e+00 : f32
    %mul3A_128 = vector.broadcast %mul3A_127 : f32 to vector<8x2048xf32>
    %mul3A_129 = arith.mulf %mul3A_128, %sub3A_126 : vector<8x2048xf32>
    %add3A_130 = arith.addf %mul3A_116, %mul3A_119 : vector<8x2048xf32>
    %mul3A_131 = arith.constant 2.000000e+00 : f32
    %mul3A_132 = vector.broadcast %mul3A_131 : f32 to vector<8x2048xf32>
    %mul3A_133 = arith.mulf %mul3A_132, %add3A_130 : vector<8x2048xf32>
    %add3A_134 = arith.addf %mul3A_115, %mul3A_120 : vector<8x2048xf32>
    %mul3A_135 = arith.constant 2.000000e+00 : f32
    %mul3A_136 = vector.broadcast %mul3A_135 : f32 to vector<8x2048xf32>
    %mul3A_137 = arith.mulf %mul3A_136, %add3A_134 : vector<8x2048xf32>
    %add3A_138 = arith.addf %mul3A_112, %mul3A_114 : vector<8x2048xf32>
    %mul3A_139 = arith.constant 2.000000e+00 : f32
    %mul3A_140 = vector.broadcast %mul3A_139 : f32 to vector<8x2048xf32>
    %mul3A_141 = arith.mulf %mul3A_140, %add3A_138 : vector<8x2048xf32>
    %sub3A_142 = arith.subf %max3A_111, %mul3A_141 : vector<8x2048xf32>
    %sub3A_143 = arith.subf %mul3A_117, %mul3A_118 : vector<8x2048xf32>
    %mul3A_144 = arith.constant 2.000000e+00 : f32
    %mul3A_145 = vector.broadcast %mul3A_144 : f32 to vector<8x2048xf32>
    %mul3A_146 = arith.mulf %mul3A_145, %sub3A_143 : vector<8x2048xf32>
    %sub3A_147 = arith.subf %mul3A_116, %mul3A_119 : vector<8x2048xf32>
    %mul3A_148 = arith.constant 2.000000e+00 : f32
    %mul3A_149 = vector.broadcast %mul3A_148 : f32 to vector<8x2048xf32>
    %mul3A_150 = arith.mulf %mul3A_149, %sub3A_147 : vector<8x2048xf32>
    %add3A_151 = arith.addf %mul3A_117, %mul3A_118 : vector<8x2048xf32>
    %mul3A_152 = arith.constant 2.000000e+00 : f32
    %mul3A_153 = vector.broadcast %mul3A_152 : f32 to vector<8x2048xf32>
    %mul3A_154 = arith.mulf %mul3A_153, %add3A_151 : vector<8x2048xf32>
    %add3A_155 = arith.addf %mul3A_112, %mul3A_113 : vector<8x2048xf32>
    %mul3A_156 = arith.constant 2.000000e+00 : f32
    %mul3A_157 = vector.broadcast %mul3A_156 : f32 to vector<8x2048xf32>
    %mul3A_158 = arith.mulf %mul3A_157, %add3A_155 : vector<8x2048xf32>
    %sub3A_159 = arith.subf %max3A_111, %mul3A_158 : vector<8x2048xf32>
    %mul3A_160 = arith.mulf %mul3A, %sub3A_125 : vector<8x2048xf32>
    %mul3A_161 = arith.mulf %mul3A_88, %mul3A_129 : vector<8x2048xf32>
    %mul3A_162 = arith.mulf %mul3A_102, %mul3A_133 : vector<8x2048xf32>
    %mul3A_163 = arith.mulf %mul3A, %mul3A_137 : vector<8x2048xf32>
    %mul3A_164 = arith.mulf %mul3A_88, %sub3A_142 : vector<8x2048xf32>
    %mul3A_165 = arith.mulf %mul3A_102, %mul3A_146 : vector<8x2048xf32>
    %mul3A_166 = arith.mulf %mul3A, %mul3A_150 : vector<8x2048xf32>
    %mul3A_167 = arith.mulf %mul3A_88, %mul3A_154 : vector<8x2048xf32>
    %mul3A_168 = arith.mulf %mul3A_102, %sub3A_159 : vector<8x2048xf32>
    %mul3A_169 = arith.constant 9.99999997E-7 : f32
    %mul3A_170 = vector.broadcast %mul3A_169 : f32 to vector<8x2048xf32>
    %mul3A_171 = arith.mulf %mul3A_170, %max3A_111 : vector<8x2048xf32>
    %mul3A_172 = arith.mulf %mul3A_171, %max3A_111 : vector<8x2048xf32>
    %mul3A_173 = arith.mulf %mul3A_160, %sub3A_125 : vector<8x2048xf32>
    %mul3A_174 = arith.mulf %mul3A_161, %mul3A_129 : vector<8x2048xf32>
    %add3A_175 = arith.addf %mul3A_173, %mul3A_174 : vector<8x2048xf32>
    %mul3A_176 = arith.mulf %mul3A_162, %mul3A_133 : vector<8x2048xf32>
    %add3A_177 = arith.addf %add3A_175, %mul3A_176 : vector<8x2048xf32>
    %add3A_178 = arith.addf %add3A_177, %mul3A_172 : vector<8x2048xf32>
    %mul3A_179 = arith.mulf %mul3A_160, %mul3A_137 : vector<8x2048xf32>
    %mul3A_180 = arith.mulf %mul3A_161, %sub3A_142 : vector<8x2048xf32>
    %add3A_181 = arith.addf %mul3A_179, %mul3A_180 : vector<8x2048xf32>
    %mul3A_182 = arith.mulf %mul3A_162, %mul3A_146 : vector<8x2048xf32>
    %add3A_183 = arith.addf %add3A_181, %mul3A_182 : vector<8x2048xf32>
    %mul3A_184 = arith.mulf %mul3A_160, %mul3A_150 : vector<8x2048xf32>
    %mul3A_185 = arith.mulf %mul3A_161, %mul3A_154 : vector<8x2048xf32>
    %add3A_186 = arith.addf %mul3A_184, %mul3A_185 : vector<8x2048xf32>
    %mul3A_187 = arith.mulf %mul3A_162, %sub3A_159 : vector<8x2048xf32>
    %add3A_188 = arith.addf %add3A_186, %mul3A_187 : vector<8x2048xf32>
    %mul3A_189 = arith.mulf %mul3A_163, %mul3A_137 : vector<8x2048xf32>
    %mul3A_190 = arith.mulf %mul3A_164, %sub3A_142 : vector<8x2048xf32>
    %add3A_191 = arith.addf %mul3A_189, %mul3A_190 : vector<8x2048xf32>
    %mul3A_192 = arith.mulf %mul3A_165, %mul3A_146 : vector<8x2048xf32>
    %add3A_193 = arith.addf %add3A_191, %mul3A_192 : vector<8x2048xf32>
    %add3A_194 = arith.addf %add3A_193, %mul3A_172 : vector<8x2048xf32>
    %mul3A_195 = arith.mulf %mul3A_163, %mul3A_150 : vector<8x2048xf32>
    %mul3A_196 = arith.mulf %mul3A_164, %mul3A_154 : vector<8x2048xf32>
    %add3A_197 = arith.addf %mul3A_195, %mul3A_196 : vector<8x2048xf32>
    %mul3A_198 = arith.mulf %mul3A_165, %sub3A_159 : vector<8x2048xf32>
    %add3A_199 = arith.addf %add3A_197, %mul3A_198 : vector<8x2048xf32>
    %mul3A_200 = arith.mulf %mul3A_166, %mul3A_150 : vector<8x2048xf32>
    %mul3A_201 = arith.mulf %mul3A_167, %mul3A_154 : vector<8x2048xf32>
    %add3A_202 = arith.addf %mul3A_200, %mul3A_201 : vector<8x2048xf32>
    %mul3A_203 = arith.mulf %mul3A_168, %sub3A_159 : vector<8x2048xf32>
    %add3A_204 = arith.addf %add3A_202, %mul3A_203 : vector<8x2048xf32>
    %add3A_205 = arith.addf %add3A_204, %mul3A_172 : vector<8x2048xf32>
    %mul3A_206 = arith.mulf %add3A_194, %add3A_205 : vector<8x2048xf32>
    %mul3A_207 = arith.mulf %add3A_199, %add3A_199 : vector<8x2048xf32>
    %sub3A_208 = arith.subf %mul3A_206, %mul3A_207 : vector<8x2048xf32>
    %mul3A_209 = arith.mulf %add3A_188, %add3A_199 : vector<8x2048xf32>
    %mul3A_210 = arith.mulf %add3A_183, %add3A_205 : vector<8x2048xf32>
    %sub3A_211 = arith.subf %mul3A_209, %mul3A_210 : vector<8x2048xf32>
    %mul3A_212 = arith.mulf %add3A_183, %add3A_199 : vector<8x2048xf32>
    %mul3A_213 = arith.mulf %add3A_188, %add3A_194 : vector<8x2048xf32>
    %sub3A_214 = arith.subf %mul3A_212, %mul3A_213 : vector<8x2048xf32>
    %mul3A_215 = arith.mulf %add3A_178, %add3A_205 : vector<8x2048xf32>
    %mul3A_216 = arith.mulf %add3A_188, %add3A_188 : vector<8x2048xf32>
    %sub3A_217 = arith.subf %mul3A_215, %mul3A_216 : vector<8x2048xf32>
    %mul3A_218 = arith.mulf %add3A_183, %add3A_188 : vector<8x2048xf32>
    %mul3A_219 = arith.mulf %add3A_178, %add3A_199 : vector<8x2048xf32>
    %sub3A_220 = arith.subf %mul3A_218, %mul3A_219 : vector<8x2048xf32>
    %mul3A_221 = arith.mulf %add3A_178, %add3A_194 : vector<8x2048xf32>
    %mul3A_222 = arith.mulf %add3A_183, %add3A_183 : vector<8x2048xf32>
    %sub3A_223 = arith.subf %mul3A_221, %mul3A_222 : vector<8x2048xf32>
    %mul3A_224 = arith.mulf %add3A_178, %sub3A_208 : vector<8x2048xf32>
    %mul3A_225 = arith.mulf %add3A_183, %sub3A_211 : vector<8x2048xf32>
    %add3A_226 = arith.addf %mul3A_224, %mul3A_225 : vector<8x2048xf32>
    %mul3A_227 = arith.mulf %add3A_188, %sub3A_214 : vector<8x2048xf32>
    %add3A_228 = arith.addf %add3A_226, %mul3A_227 : vector<8x2048xf32>
    %mul3A_229 = arith.mulf %sub3A_208, %sub3A_55 : vector<8x2048xf32>
    %mul3A_230 = arith.mulf %mul3A_229, %sub3A_55 : vector<8x2048xf32>
    %mul3A_231 = arith.mulf %sub3A_217, %sub3A_60 : vector<8x2048xf32>
    %mul3A_232 = arith.mulf %mul3A_231, %sub3A_60 : vector<8x2048xf32>
    %add3A_233 = arith.addf %mul3A_230, %mul3A_232 : vector<8x2048xf32>
    %mul3A_234 = arith.mulf %sub3A_223, %sub3A_65 : vector<8x2048xf32>
    %mul3A_235 = arith.mulf %mul3A_234, %sub3A_65 : vector<8x2048xf32>
    %add3A_236 = arith.addf %add3A_233, %mul3A_235 : vector<8x2048xf32>
    %mul3A_237 = arith.mulf %sub3A_211, %sub3A_55 : vector<8x2048xf32>
    %mul3A_238 = arith.mulf %mul3A_237, %sub3A_60 : vector<8x2048xf32>
    %mul3A_239 = arith.mulf %sub3A_214, %sub3A_55 : vector<8x2048xf32>
    %mul3A_240 = arith.mulf %mul3A_239, %sub3A_65 : vector<8x2048xf32>
    %add3A_241 = arith.addf %mul3A_238, %mul3A_240 : vector<8x2048xf32>
    %mul3A_242 = arith.mulf %sub3A_220, %sub3A_60 : vector<8x2048xf32>
    %mul3A_243 = arith.mulf %mul3A_242, %sub3A_65 : vector<8x2048xf32>
    %add3A_244 = arith.addf %add3A_241, %mul3A_243 : vector<8x2048xf32>
    %mul3A_245 = arith.constant 2.000000e+00 : f32
    %mul3A_246 = vector.broadcast %mul3A_245 : f32 to vector<8x2048xf32>
    %mul3A_247 = arith.mulf %mul3A_246, %add3A_244 : vector<8x2048xf32>
    %add3A_248 = arith.addf %add3A_236, %mul3A_247 : vector<8x2048xf32>
    %mul3A_249 = arith.mulf %max3A_111, %max3A_111 : vector<8x2048xf32>
    %mul3A_250 = arith.mulf %mul3A_249, %add3A_248 : vector<8x2048xf32>
    %div3A = arith.divf %mul3A_250, %add3A_228 : vector<8x2048xf32>
    %ne3A = arith.cmpf one, %div3A, %div3A : vector<8x2048xf32>
    %jit3A_251 = arith.constant 0.000000e+00 : f32
    %broadcast_in_dim3A = vector.broadcast %jit3A_251 : f32 to vector<8x2048xf32>
    %select_n3A = arith.select %ne3A, %broadcast_in_dim3A, %div3A : vector<8x2048xi1>, vector<8x2048xf32>
    %jit3A_252 = arith.constant 0.000000e+00 : f32
    %jit3A_253 = arith.constant 1.000000e+06 : f32
    %max3A_254 = vector.broadcast %jit3A_252 : f32 to vector<8x2048xf32>
    %max3A_255 = arith.maximumf %max3A_254, %select_n3A : vector<8x2048xf32>
    %min3A_256 = vector.broadcast %jit3A_253 : f32 to vector<8x2048xf32>
    %min3A_257 = arith.minimumf %min3A_256, %max3A_255 : vector<8x2048xf32>
    %gt3A = arith.constant 5.000000e-01 : f32
    %gt3A_258 = vector.broadcast %gt3A : f32 to vector<8x2048xf32>
    %gt3A_259 = arith.cmpf ogt, %get3A_51, %gt3A_258 : vector<8x2048xf32>
    %jit3A_260 = arith.constant 1.000000e+06 : f32
    %broadcast_in_dim3A_261 = vector.broadcast %jit3A_260 : f32 to vector<8x2048xf32>
    %select_n3A_262 = arith.select %gt3A_259, %min3A_257, %broadcast_in_dim3A_261 : vector<8x2048xi1>, vector<8x2048xf32>
    %reduce_min3A = arith.constant dense<0x7F800000> : vector<2048xf32>
    %reduce_min3A_263 = vector.multi_reduction <minimumf>, %select_n3A_262, %reduce_min3A [0] : vector<8x2048xf32> to vector<2048xf32>
    %broadcast_in_dim3A_264 = vector.shape_cast %reduce_min3A_263 : vector<2048xf32> to vector<1x2048xf32>
    %sqrt3A = math.sqrt %broadcast_in_dim3A_264 : vector<1x2048xf32>
    %swap3A = arith.constant 0 : index
    %swap3A_265 = arith.constant 0 : index
    %swap3A_266 = vector.load %arg3[%swap3A, %swap3A_265] : memref<1x2048xf32, #tpu.memory_space<vmem>>, vector<1x2048xf32>
    tpu.vector_store %arg3[%swap3A, %swap3A_265], %sqrt3A {strides = array<i32>} : memref<1x2048xf32, #tpu.memory_space<vmem>>, vector<1x2048xf32>,
    return
  }
}

</mosaic_0001>

<sc_bundles>
// kernel: kernel.5.cloned.1.call-start
scs
__scs_entry_jumppad:
0x0: {  	(pc) =	sbr.rel $0x88, $3  }
0x1: {  	(tag) =	ssettag $0x0;
	lr =	simm.s32 $0x1  }
0x2: {  	[smem:$0x3F9D] =	sst lr;
	_ =	strace $0xD0000000  }
0x3: {  	_ = 	snop  }
0x4: {  	_ = 	snop  }
0x5: {  	_ = 	snop  }
0x6: {  	_ = 	snop  }
0x7: {  	_ = 	snop  }
__scs_overlays_trampoline_lowered:
0x8: {  	[smem:$0x3FAC] =	sst s0  }
0x9: {  	[smem:$0x3FAD] =	sst s1  }
0xa: {  	[smem:$0x3FAE] =	sst s2  }
0xb: {  	[smem:$0x3FAF] =	sst s3  }
0xc: {  	[smem:$0x3FB0] =	sst s4  }
0xd: {  	[smem:$0x3FB1] =	sst s5  }
0xe: {  	[smem:$0x3FB2] =	sst s6  }
0xf: {  	[smem:$0x3FB3] =	sst s7  }
0x10: {  	[smem:$0x3FB4] =	sst s8  }
0x11: {  	[smem:$0x3FB5] =	sst s9;
	s0 =	simm.s32 @!p0 $0x0  }
0x12: {  	s1 =	sld [smem:$0x3F9B];
	s0 =	simm.s32 @p0 $0x1  }
0x13: {  	[smem:$0x3FB6] =	sst s0;
	s0 =	simm.s32 @!p1 $0x0  }
0x14: {  	s2 =	sld [smem:$0x3F9A];
	s0 =	simm.s32 @p1 $0x1  }
0x15: {  	[smem:$0x3FB7] =	sst s0;
	s0 =	simm.s32 @!p2 $0x0  }
0x16: {  	s3 =	sld [smem:$0x3FDB];
	s0 =	simm.s32 @p2 $0x1  }
0x17: {  	s4 =	simm.s32 $0x1BF5;
	[smem:$0x3FB9] =	sst s0  }
0x18: {  	s0 =	sld [smem:$0x3F9C];
	_ =	swait.ge [sflag:s4], $0x0  }
0x19: {  	s7 =	sld [smem:$0x3F9D]  }
0x1a: {  	s8 =	sadd.s32 $0xFFFFE003, lr  }
0x1b: {  	s9 =	sadd.s32 $0xFFFFFEF7, lr;
	s5 =	simm.s32 $0xFFFFFFFF;
	p2 =	slt.u32 s8, $0xFFFFF086  }
0x1c: {  	p1 =	slt.u32 s9, $0xF7A;
	s5 =	simm.s32 @!p2 $0x0  }
0x1d: {  	s5 =	simm.s32 @p1 $0x1;
	p0 =	seq.s32 s7, s2  }
0x1e: {  	s7 =	smul.u32 @!p0 $0xF7A, s2;
	p2 =	seq.s32 @!p0 s5, $0x0  }
0x1f: {  	s9 =	smul.u32 $0xF7A, s1;
	s8 =	simm.s32 @!p0 $0x1BF5;
	p2 =	por !p2, p0  }
0x20: {  	[sflag:s8] =	ssyncset.s32 @!p0 $0xFFFFF086;
	s6 =	sadd.s32 @!p0 s3, s7;
	s7 =	simm.s32 @!p0 $0x108  }
0x21: {  	s3 =	sadd.s32 s3, s9;
	s6 =	sadd.s32 @!p0 $0x88, s6;
	s7 =	simm.s32 @p2 $0x1082  }
0x22: {  	[simem:s7], [sflag:s8] =	dma.local @!p0 [hbm:s6], $0xF7A  }
0x23: {  	s9 =	sor.u32 $0xD0000000, s2;
	s6 =	simm.s32 $0x108;
	_ =	swait.ge @!p0 [sflag:s8], $0x0  }
0x24: {  	s3 =	sadd.s32 $0x88, s3;
	s6 =	simm.s32 @!p1 $0x1082;
	[sflag:s4] =	ssyncset.s32 $0xFFFFF086  }
0x25: {  	[simem:s6], [sflag:s4] =	dma.local [hbm:s3], $0xF7A  }
0x26: {  	[smem:$0x3F9D] =	sst s1;
	(tag) =	ssettag s2;
	_ =	strace s9  }
0x27: {  	s1 =	sld [smem:$0x3FAD]  }
0x28: {  	s2 =	sld [smem:$0x3FAE]  }
0x29: {  	s4 =	sld [smem:$0x3FB0]  }
0x2a: {  	p0 =	seq.s32 s5, $0x0;
	s5 =	sld [smem:$0x3FB1]  }
0x2b: {  	s6 =	sld [smem:$0x3FB2]  }
0x2c: {  	s7 =	sld [smem:$0x3FB3]  }
0x2d: {  	s3 =	simm.s32 $0x108;
	s8 =	sld [smem:$0x3FB4]  }
0x2e: {  	s3 =	simm.s32 @!p0 $0x1082;
	s9 =	sld [smem:$0x3FB5]  }
0x2f: {  	lr =	sadd.s32 s0, s3;
	s0 =	sld [smem:$0x3FAC]  }
0x30: {  	s3 =	sld [smem:$0x3FAF]  }
0x31: {  	[smem:$0x3FB8] =	sst s10  }
0x32: {  	s10 =	sld [smem:$0x3FB6];
	_ =	sdelay $0x3  }
0x33: {  	p0 =	seq.s32 s10, $0x1;
	s10 =	sld [smem:$0x3FB8];
	_ =	sdelay $0x3  }
0x34: {  	[smem:$0x3FB8] =	sst s10  }
0x35: {  	s10 =	sld [smem:$0x3FB7];
	_ =	sdelay $0x3  }
0x36: {  	p1 =	seq.s32 s10, $0x1;
	s10 =	sld [smem:$0x3FB8];
	_ =	sdelay $0x3  }
0x37: {  	[smem:$0x3FB8] =	sst s10  }
0x38: {  	s10 =	sld [smem:$0x3FB9]  }
0x39: {  	_ = 	snop;
	(pc) =	sbr.ind lr, $3  }
0x3a: {  	_ = 	snop  }
0x3b: {  	_ = 	snop  }
0x3c: {  	p2 =	seq.s32 s10, $0x1;
	s10 =	sld [smem:$0x3FB8]  }
0x3d: {  	_ =	shalt  }
0x3e: {  	_ =	shalt  }
0x3f: {  	_ =	shalt  }
0x40: {  	_ =	shalt  }
0x41: {  	_ =	shalt  }
0x42: {  	_ =	shalt  }
0x43: {  	_ =	shalt  }
0x44: {  	_ =	shalt  }
0x45: {  	_ =	shalt  }
0x46: {  	_ =	shalt  }
0x47: {  	_ =	shalt  }
0x48: {  	_ =	shalt  }
0x49: {  	_ =	shalt  }
0x4a: {  	_ =	shalt  }
0x4b: {  	_ =	shalt  }
0x4c: {  	_ =	shalt  }
0x4d: {  	_ =	shalt  }
0x4e: {  	_ =	shalt  }
0x4f: {  	_ =	shalt  }
0x50: {  	_ =	shalt  }
0x51: {  	_ =	shalt  }
0x52: {  	_ =	shalt  }
0x53: {  	_ =	shalt  }
0x54: {  	_ =	shalt  }
0x55: {  	_ =	shalt  }
0x56: {  	_ =	shalt  }
0x57: {  	_ =	shalt  }
0x58: {  	_ =	shalt  }
0x59: {  	_ =	shalt  }
0x5a: {  	_ =	shalt  }
0x5b: {  	_ =	shalt  }
0x5c: {  	_ =	shalt  }
0x5d: {  	_ =	shalt  }
0x5e: {  	_ =	shalt  }
0x5f: {  	_ =	shalt  }
0x60: {  	_ =	shalt  }
0x61: {  	_ =	shalt  }
0x62: {  	_ =	shalt  }
0x63: {  	_ =	shalt  }
0x64: {  	_ =	shalt  }
0x65: {  	_ =	shalt  }
0x66: {  	_ =	shalt  }
0x67: {  	_ =	shalt  }
0x68: {  	_ =	shalt  }
0x69: {  	_ =	shalt  }
0x6a: {  	_ =	shalt  }
0x6b: {  	_ =	shalt  }
0x6c: {  	_ =	shalt  }
0x6d: {  	_ =	shalt  }
0x6e: {  	_ =	shalt  }
0x6f: {  	_ =	shalt  }
0x70: {  	_ =	shalt  }
0x71: {  	_ =	shalt  }
0x72: {  	_ =	shalt  }
0x73: {  	_ =	shalt  }
0x74: {  	_ =	shalt  }
0x75: {  	_ =	shalt  }
0x76: {  	_ =	shalt  }
0x77: {  	_ =	shalt  }
0x78: {  	_ =	shalt  }
0x79: {  	_ =	shalt  }
0x7a: {  	_ =	shalt  }
0x7b: {  	_ =	shalt  }
0x7c: {  	_ =	shalt  }
0x7d: {  	_ =	shalt  }
0x7e: {  	_ =	shalt  }
0x7f: {  	_ =	shalt  }
0x80: {  	_ =	shalt  }
0x81: {  	_ =	shalt  }
0x82: {  	_ =	shalt  }
0x83: {  	_ =	shalt  }
0x84: {  	_ =	shalt  }
0x85: {  	_ =	shalt  }
0x86: {  	_ =	shalt  }
0x87: {  	_ =	shalt  }
.Lfunc_end0:
.L_simem_size_0:
called_computation_lowered:
.L_overlay_start_0:
0x88: {  	s2 =	sld [smem:$0x3FD9]  }
0x89: {  	s3 =	sld [smem:$0x3FFE];
	_ =	sdelay $0x1  }
0x8a: {  	s1 =	srdreg.scid  }
0x8b: {  	s0 =	sand.u32 $0x1, s1  }
0x8c: {  	s16 =	sshll.u32 s0, $0xA;
	s2 =	sadd.s32 s3, s2  }
0x8d: {  	s2 =	sadd.s32 s2, s16  }
0x8e: {  	[smem:$0x3FC4] =	sst s2  }
0x8f: {  	_ = 	snop  }
0x90: {  	(tm) =	ssettm $0x1  }
0x91: {  	s17 =	sld [smem:$0x3FFB];
	_ =	sdelay $0x3  }
0x92: {  	_ =	strace s17  }
0x93: {  	s2 =	sld [smem:$0x3FFC];
	_ =	sdelay $0x3  }
0x94: {  	_ =	strace s2  }
0x95: {  	s2 =	sld [smem:$0x3FFD];
	_ =	sdelay $0x3  }
0x96: {  	_ =	strace s2  }
0x97: {  	_ =	strace $0x8FFFFFFF  }
0x98: {  	s18 =	sld [smem:$0x3FDB];
	_ =	sdelay $0x1  }
0x99: {  	s19 =	simm.s32 $_scs_section_size  }
0x9a: {  	s4 =	simm.s32 $_size__tile_overlayer_lowered;
	s5 =	simm.s32 $_tile_overlayer_lowered  }
0x9b: {  	s22 =	simm.s32 $0x1BFF;
	s21 =	sshll.u32 s5, $0x1;
	s2 =	sadd.s32 s19, s18  }
0x9c: {  	s6 =	simm.s32 $0x0;
	s20 =	sshll.u32 s4, $0x1;
	s4 =	sadd.s32 s21, s2  }
0x9d: {  	[timem:s6], [sflag:s22] =	dma.local [hbm:s4], s20  }
0x9e: {  	_ =	swait.ge [sflag:s22], s20  }
0x9f: {  	s3 =	ssub.s32 $0x0, s20;
	[sflag:s22] =	ssyncset.done $0x0  }
0xa0: {  	[sflag:s22] =	ssyncadd.s32 s3;
	_ =	sdelay $0x1  }
0xa1: {  	s23 =	simm.s32 $0x1B8B  }
0xa2: {  	_ =	swait.ge [sflag:s23], $0x1  }
0xa3: {  	[sflag:s23] =	ssyncset.done $0x0  }
0xa4: {  	s25 =	simm.s32 $0x1B8E;
	s24 =	sld [smem:$0x3FFE];
	[sflag:s23] =	ssyncadd.s32 $0xFFFFFFFF  }
0xa5: {  	s26 =	simm.s32 $execute0_lowered;
	[smem:$0x3FD2] =	sst s25  }
0xa6: {  	s4 =	sshll.u32 s26, $0x1;
	_ =	strace $0x80000046;
	[dreg:$0x1] =	wrdreg $0xFFFFFFFF  }
0xa7: {  	s28 =	simm.s32 $_size_execute0_lowered;
	s2 =	sadd.s32 s2, s4;
	[dreg:$0x0] =	wrdreg $0x0  }
0xa8: {  	s4 =	sshll.u32 s28, $0x1;
	[dreg:$0x2] =	wrdreg s2  }
0xa9: {  	[dreg:$0x3] =	wrdreg s4  }
0xaa: {  	[dreg:$0x4] =	wrdreg $0xC0  }
0xab: {  	_ =	task [dreg:s6], $0x5FFFF  }
0xac: {  	[dreg:$0x1] =	wrdreg $0xFFFFFFFF  }
0xad: {  	[dreg:$0x0] =	wrdreg $0x60  }
0xae: {  	[dreg:$0x2] =	wrdreg s24  }
0xaf: {  	[dreg:$0x3] =	wrdreg $0x9  }
0xb0: {  	_ =	task.clear_ibuf [dreg:s6], $0x4FFFF;
	_ =	strace $0x90000046  }
0xb1: {  	s29 =	simm.s32 $0x9;
	_ =	strace $0x80000048  }
0xb2: {  	_ =	swait.ge [sflag:s29], $0x1  }
0xb3: {  	[sflag:s29] =	ssyncadd.s32 $0xFFFFFFFF  }
0xb4: {  	_ =	strace $0x90000048  }
0xb5: {  	_ =	sfence  }
0xb6: {  	s30 =	sld [smem:$0x0];
	_ =	sdelay $0x2  }
0xb7: {  	s31 =	sshll.u32 s1, $0xD;
	s1 =	sshrl.u32 s1, $0x2  }
0xb8: {  	s3 =	sand.u32 $0x4000, s31;
	s1 =	sadd.s32 s1, s30  }
0xb9: {  	s0 =	sor.u32 s3, s0;
	s1 =	sshll.u32 s1, $0x11  }
0xba: {  	s0 =	sor.u32 s1, s0  }
0xbb: {  	s0 =	sadd.s32 $0x8F2B, s0  }
0xbc: {  	[sflag:s0] =	ssyncadd.remote.s32 $0x1  }
0xbd: {  	_ =	sfence.sel $0xFFFF  }
0xbe: {  	[dreg:$0x0] =	wrdreg $0xFFFFFFFF;
	(pc) =	sbr.abs _section_cstart, $3  }
0xbf: {  	[dreg:$0x1] =	wrdreg $0xFFFFFFFF  }
0xc0: {  	_ =	task.clear_ibuf [dreg:s6], $0x2FFFF;
	_ =	strace $0x9FFFFFFF  }
0xc1: {  	(tm) =	ssettm $0x7FFFFFFF  }
tec
execute0_lowered:
.L_overlay_start_1:
0x0: {  	(tag) =	ssettag $0x1  }
0x1: {  	s1 =	srdreg.scid;
	s0 =	stileid.u32  }
0x2: {  	s14 =	sand.u32 $0x1, s1;
	s29 =	sshll.u32 s0, $0x1  }
0x3: {  	s15 =	rddreg [dreg:$0x0];
	s16 =	sor.u32 s14, s29  }
0x4: {  	s2 =	simm.s32 $0x0;
	s1 =	rddreg [dreg:$0x1];
	s3 =	sshll.u32 s16, $0x6  }
0x5: {  	[smem:$0x7FF] =	sst s2;
	s3 =	sadd.s32 s3, s15  }
0x6: {  	_ =	strace $0x80000047;
	s4 =	sadd.s32 $0xA00, s3;
	s3 =	simm.s32 $0x2  }
0x7: {  	[tilespmem:s2], [sflag:$0x2] =	stream.linear.gather [hbm4b:s4+s2], $0x200, $0x38;
	[tilespmem:$0x2200] =	vst v63  }
0x8: {  	_ =	swait.ge [sflag:s3], $0x200  }
0x9: {  	s6 =	simm.s32 $0x80;
	[sflag:s3] =	ssyncset.done $0x0  }
0xa: {  	s7 =	simm.s32 $0x200;
	s5 =	sadd.s32 $0x100A00, s15;
	[sflag:s3] =	ssyncadd.s32 $0xFFFFFE00  }
0xb: {  	[tilespmem:s7], [sflag:$0x1] =	stream.indirect.gather [hbm4b:s5+s6], $0x10, s2, s6, $0xb8;
	[tilespmem:$0x2200] =	vst v63  }
0xc: {  	s8 =	simm.s32 $0xA00  }
0xd: {  	[tilespmem:s8], [sflag:$0x1] =	stream.indirect.gather [hbm4b:s5+s6], $0x10, s6, s6, $0xb8;
	[tilespmem:$0x2200] =	vst v63  }
0xe: {  	s9 =	simm.s32 $0x100;
	s10 =	simm.s32 $0x1200  }
0xf: {  	[tilespmem:s10], [sflag:$0x1] =	stream.indirect.gather [hbm4b:s5+s6], $0x10, s9, s6, $0xb8;
	[tilespmem:$0x2200] =	vst v63  }
0x10: {  	s11 =	simm.s32 $0x180;
	s12 =	simm.s32 $0x1A00;
	s13 =	simm.s32 $0x1  }
0x11: {  	[tilespmem:s12], [sflag:$0x1] =	stream.indirect.gather [hbm4b:s5+s6], $0x10, s11, s6, $0xb8;
	[tilespmem:$0x2200] =	vst v63  }
0x12: {  	_ =	swait.ge [sflag:s13], $0x800  }
0x13: {  	[sflag:s13] =	ssyncset.done $0x0  }
0x14: {  	[sflag:s13] =	ssyncadd.s32 $0xFFFFF800  }
0x15: {  	_ =	swait.ge [sflag:s13], $0x800  }
0x16: {  	[sflag:s13] =	ssyncset.done $0x0  }
0x17: {  	s14 =	ssub.s32 $0x2, s14;
	[sflag:s13] =	ssyncadd.s32 $0xFFFFF800  }
0x18: {  	s17 =	sshrl.u32 s14, $0x1;
	_ =	swait.ge [sflag:s13], $0x800  }
0x19: {  	s30 =	ssub.s32 s14, s17;
	[sflag:s13] =	ssyncset.done $0x0  }
0x1a: {  	s31 =	smax.u32 s30, $0x1;
	[sflag:s13] =	ssyncadd.s32 $0xFFFFF800  }
0x1b: {  	s16 =	sshll.u32 s16, $0xA;
	p0 =	sne.s32 s31, $0x1;
	_ =	swait.ge [sflag:s13], $0x800  }
.Ltmp0:
0x1c: {  	s15 =	sadd.s32 s16, s15;
	[sflag:s13] =	ssyncset.done $0x0;
	(pc) =	sbr.rel @!p0 .LBB2_2-.Ltmp0, $4  }
0x1d: {  	s14 =	sadd.s32 $0x1200, s15;
	[sflag:s13] =	ssyncadd.s32 $0xFFFFF800  }
0x1e: {  	[hbm4b:s14+s2] =	stream.linear.scatter [tilespmem:s7], [sflag:$0x2], $0x2000, $0x38;
	[tilespmem:$0x2200] =	vst v63  }
0x1f: {  	_ =	swait.ge [sflag:s3], $0x2000  }
0x20: {  	s15 =	sadd.s32 $0xFFFFFFFF, s31;
	[sflag:s3] =	ssyncset.done $0x0  }
.LBB2_1:
0x21: {  	p0 =	sne.s32 s15, $0x1;
	s15 =	sadd.s32 $0xFFFFFFFF, s15;
	[sflag:s3] =	ssyncadd.s32 $0xFFFFE000  }
0x22: {  	[tilespmem:s2], [sflag:$0x2] =	stream.linear.gather [hbm4b:s4+s2], $0x200, $0x38;
	[tilespmem:$0x2200] =	vst v63  }
0x23: {  	_ =	swait.ge [sflag:s3], $0x200  }
0x24: {  	[sflag:s3] =	ssyncset.done $0x0  }
0x25: {  	[sflag:s3] =	ssyncadd.s32 $0xFFFFFE00  }
0x26: {  	[tilespmem:s7], [sflag:$0x1] =	stream.indirect.gather [hbm4b:s5+s6], $0x10, s2, s6, $0xb8;
	[tilespmem:$0x2200] =	vst v63  }
0x27: {  	_ = 	snop  }
0x28: {  	[tilespmem:s8], [sflag:$0x1] =	stream.indirect.gather [hbm4b:s5+s6], $0x10, s6, s6, $0xb8;
	[tilespmem:$0x2200] =	vst v63  }
0x29: {  	_ = 	snop  }
0x2a: {  	[tilespmem:s10], [sflag:$0x1] =	stream.indirect.gather [hbm4b:s5+s6], $0x10, s9, s6, $0xb8;
	[tilespmem:$0x2200] =	vst v63  }
0x2b: {  	_ = 	snop  }
0x2c: {  	[tilespmem:s12], [sflag:$0x1] =	stream.indirect.gather [hbm4b:s5+s6], $0x10, s11, s6, $0xb8;
	[tilespmem:$0x2200] =	vst v63  }
0x2d: {  	_ =	swait.ge [sflag:s13], $0x800  }
0x2e: {  	[sflag:s13] =	ssyncset.done $0x0  }
0x2f: {  	[sflag:s13] =	ssyncadd.s32 $0xFFFFF800  }
0x30: {  	_ =	swait.ge [sflag:s13], $0x800  }
0x31: {  	[sflag:s13] =	ssyncset.done $0x0  }
0x32: {  	[sflag:s13] =	ssyncadd.s32 $0xFFFFF800  }
0x33: {  	_ =	swait.ge [sflag:s13], $0x800  }
0x34: {  	[sflag:s13] =	ssyncset.done $0x0  }
0x35: {  	[sflag:s13] =	ssyncadd.s32 $0xFFFFF800  }
0x36: {  	_ =	swait.ge [sflag:s13], $0x800  }
.Ltmp1:
0x37: {  	[sflag:s13] =	ssyncset.done $0x0;
	(pc) =	sbr.rel @p0 .LBB2_1-.Ltmp1, $4  }
0x38: {  	[sflag:s13] =	ssyncadd.s32 $0xFFFFF800  }
0x39: {  	[hbm4b:s14+s2] =	stream.linear.scatter [tilespmem:s7], [sflag:$0x2], $0x2000, $0x38;
	[tilespmem:$0x2200] =	vst v63  }
0x3a: {  	_ =	swait.ge [sflag:s3], $0x2000  }
0x3b: {  	[sflag:s3] =	ssyncset.done $0x0  }
.LBB2_2:
0x3c: {  	[sflag:s3] =	ssyncadd.s32 $0xFFFFE000  }
0x3d: {  	_ =	sfence.sel $0x180000  }
0x3e: {  	[bflag:$0x0] =	sbarrier.arrive $0xFFFF  }
0x3f: {  	p0 =	sne.s32 s0, $0x0;
	_ =	strace $0x90000047  }
0x40: {  	s0 =	sadd.s32 @!p0 $0x100000, s1;
	[bflag:$0x2] =	sbarrier.arrive $0xFFFF  }
0x41: {  	[sflag:s0] =	ssyncadd.tile.s32 @!p0 $0x1;
	_ =	shalt  }
.Lfunc_end2:
_tile_overlayer_lowered:
.L_overlay_start_2:
0x42: {  	(tag) =	ssettag $0x2  }
0x43: {  	s0 =	rddreg [dreg:$0x0];
	s2 =	stileid.u32  }
0x44: {  	s1 =	rddreg [dreg:$0x1];
	p0 =	sne.s32 s2, $0x0  }
0x45: {  	s3 =	rddreg [dreg:$0x2];
	[bflag:$0x3] =	sbarrier.arrive $0xFFFF;
	s2 =	simm.s32 @!p0 $0x1C02  }
0x46: {  	[timem:s3], [sflag:s2] =	dma.local @!p0 [hbm:s0], s1  }
0x47: {  	s0 =	simm.s32 @!p0 $0x2  }
0x48: {  	_ =	swait.ge @!p0 [sflag:s0], s1  }
0x49: {  	s1 =	ssub.s32 @!p0 $0x0, s1;
	[sflag:s0] =	ssyncset.done @!p0 $0x0  }
0x4a: {  	[sflag:s0] =	ssyncadd.s32 @!p0 s1  }
0x4b: {  	[bflag:$0x3] =	sbarrier.arrive $0xFFFF  }
0x4c: {  	_ =	shalt  }

</sc_bundles>
